<compile_context>
chip_gen: v7x
topology: tpu7x:2x2x1
jax: 0.10.2.dev20260603
libtpu: 0.0.44.dev20260713+nightly
codegen_flags: <defaults>
</compile_context>

<pallas_src>
import jax
import jax.numpy as jnp
import numpy as np
from jax import lax
from jax.experimental import pallas as pl
from jax.experimental.pallas import tpu as pltpu
from jax.experimental.pallas import tpu_sc as plsc

_WDX = 1.0
_WLB = 1.0
_WC = 1.0
_YLEN = 10
_RC = [12, 5, 12.36, 18, 9.1, 10, 18.62, 1.5, 18, 1.5]
_COSTS16 = np.zeros(16, np.float32)
_COSTS16[:_YLEN] = np.array(_RC, np.float64) / np.sum(_RC)

_B = 128
_T = 512
_F = 512
_NW = 32
_SPW = _B // _NW
_CSLICE = 128
_TCH = 256
_NCH = _T // _TCH


def _sigmoid_shifted(tv, half, kslope, one):
    return one / (one + jnp.exp((half - tv) * kslope))


def _body(xprev, xpost, tcat, out, buf, tvm, orow):
    nc = 2
    wid = lax.axis_index("s") * nc + lax.axis_index("c")
    base = wid * _SPW

    pltpu.sync_copy(tcat, tvm)

    iot = lax.iota(jnp.int32, 16)
    half = jnp.full((16,), 0.5, jnp.float32)
    kslope = jnp.full((16,), 1000.0, jnp.float32)
    one = jnp.full((16,), 1.0, jnp.float32)
    zero = jnp.zeros((16,), jnp.float32)
    invT = jnp.float32(1.0 / _T)

    orow_acc = zero
    for j in range(_SPW):
        b = base + j

        def reduce_one(src):
            a0 = zero
            a1 = zero
            for k in range(_NCH):
                pltpu.sync_copy(
                    src.at[b, pl.ds(k * _TCH, _TCH), pl.ds(0, _CSLICE)], buf
                )

                def tstep(tt, carry):
                    c0, c1 = carry
                    c0 = c0 + buf[tt, pl.ds(0, 16)]
                    c1 = c1 + buf[tt, pl.ds(16, 16)]
                    return c0, c1

                a0, a1 = lax.fori_loop(0, _TCH, tstep, (a0, a1))
            return a0, a1

        p0, p1 = reduce_one(xprev)
        q0, q1 = reduce_one(xpost)
        vm0 = jnp.abs(p0 - q0) * invT
        vm1 = jnp.abs(p1 - q1) * invT

        te0 = tvm[b, pl.ds(0, 16)]
        te1 = tvm[b, pl.ds(16, 16)]
        tv = tvm[b, pl.ds(32, 16)]
        tupv = tvm[b, pl.ds(48, 16)]
        tlowv = tvm[b, pl.ds(64, 16)]
        costv = tvm[b, pl.ds(80, 16)]

        w0 = jnp.where(te0 > half, one, zero) * _sigmoid_shifted(te0, half, kslope, one)
        w1 = jnp.where(te1 > half, one, zero) * _sigmoid_shifted(te1, half, kslope, one)
        eachval = jnp.sum(vm0 * w0) + jnp.sum(vm1 * w1)

        bmask = jnp.where(tupv == tlowv, one, zero)
        eachb = jnp.sum(bmask * jnp.abs(tv - tlowv))
        thisorder = _sigmoid_shifted(tv, half, kslope, one)
        cost = jnp.sum(thisorder * costv)
        labvar = eachval * _WDX - eachb * _WLB - cost * _WC

        orow_acc = jnp.where(iot == j, labvar, orow_acc)
        orow_acc = jnp.where(iot == 4 + j, eachval, orow_acc)
        orow_acc = jnp.where(iot == 8 + j, eachb, orow_acc)
        orow_acc = jnp.where(iot == 12 + j, cost, orow_acc)

    orow[pl.ds(0, 16)] = orow_acc
    for k in range(1, 8):
        orow[pl.ds(k * 16, 16)] = zero
    pltpu.sync_copy(orow, out.at[pl.ds(wid * 128, 128)])


@jax.jit
def kernel(Xprev, Xpost, t, tup, tlow):
    texp = jnp.pad(jnp.repeat(t, 3, axis=1), ((0, 0), (0, 2)))
    costs_row = jnp.broadcast_to(jnp.asarray(_COSTS16), (_B, 16))
    tcat = jnp.concatenate(
        [
            texp,
            jnp.pad(t, ((0, 0), (0, 6))),
            jnp.pad(tup, ((0, 0), (0, 6))),
            jnp.pad(tlow, ((0, 0), (0, 6))),
            costs_row,
            jnp.zeros((_B, 32), jnp.float32),
        ],
        axis=1,
    )

    mesh = plsc.VectorSubcoreMesh(
        core_axis_name="c", subcore_axis_name="s", num_cores=2, num_subcores=16
    )
    run = pl.kernel(
        _body,
        out_type=jax.ShapeDtypeStruct((_NW * 128,), jnp.float32),
        mesh=mesh,
        scratch_types=[
            pltpu.VMEM((_TCH, _CSLICE), jnp.float32),
            pltpu.VMEM((_B, 128), jnp.float32),
            pltpu.VMEM((128,), jnp.float32),
        ],
        compiler_params=pltpu.CompilerParams(needs_layout_passes=False),
    )
    res = run(Xprev, Xpost, tcat).reshape(_NW, 128)
    labvar = res[:, 0:4].reshape(_B)
    eachval_mean = jnp.mean(res[:, 4:8])
    eachb_mean = jnp.mean(res[:, 8:12])
    cost_mean = jnp.mean(res[:, 12:16])
    return (labvar, eachval_mean, eachb_mean, cost_mean)

# --- scband reference (transcript-rebuilt; emitter-appended) ---
"""Pipeline reference for scband-lab-outcome-41635412967896 (READ-ONLY COPY).

The authoritative reference and input builder live on the scoring server;
editing this copy changes nothing except your own understanding.
"""

import jax, jax.numpy as jnp
import numpy as np

WDX = 1.0
WLB = 1.0
WC = 1.0
Y_LEN = 10
FEATS_PER_LAB = 3
LAB2IDX = {i: list(range(i * FEATS_PER_LAB, (i + 1) * FEATS_PER_LAB)) for i in range(Y_LEN)}
RC = [12, 5, 12.36, 18, 9.1, 10, 18.62, 1.5, 18, 1.5]
COSTS = jnp.asarray(np.array(RC, dtype=np.float64) / np.sum(RC), dtype=jnp.float32)


def setup_inputs(seed: int = 0) -> dict:
    key = jax.random.key(seed)
    k1, k2, k3, k4, k5 = jax.random.split(key, 5)
    B, T, F = 128, 512, 512
    Xprev = jax.random.normal(k1, (B, T, F), dtype=jnp.float32)
    Xpost = jax.random.normal(k2, (B, T, F), dtype=jnp.float32)
    t = jax.random.uniform(k3, (B, Y_LEN), dtype=jnp.float32)
    tup = jax.random.randint(k4, (B, Y_LEN), 0, 2).astype(jnp.float32)
    tlow = jax.random.randint(k5, (B, Y_LEN), 0, 2).astype(jnp.float32)
    return {"Xprev": Xprev, "Xpost": Xpost, "t": t, "tup": tup, "tlow": tlow}


def _labvar(Xprev, Xpost, t, tup, tlow):
    featidx = jnp.asarray([j for i in range(Y_LEN) for j in LAB2IDX[i]], dtype=jnp.int32)
    seg = jnp.asarray([i for i in range(Y_LEN) for _ in LAB2IDX[i]], dtype=jnp.int32)
    # gather lab-related feature columns (torch: Xprev[sidx, :, featidx])
    eXprev = jnp.take(Xprev, featidx, axis=2)
    eXpost = jnp.take(Xpost, featidx, axis=2)
    prevm = eXprev.mean(axis=1)
    postm = eXpost.mean(axis=1)
    # NOTE: in the original, epmax = |max(eXprev)-max(eXprev)| and epmin likewise are
    # identically zero, so varr = max(epmax[lidx].sum(), epmin[lidx].sum()) == 0.
    varm_feat = jnp.abs(prevm - postm)
    # per-lab sum over that lab's feature columns (torch: |prevm[lidx]-postm[lidx]|.sum())
    varm_lab = jax.ops.segment_sum(varm_feat.T, seg, num_segments=Y_LEN).T
    # deltats[lab] gets (varr + varm) only for ordered labs (t > 0.5); varr == 0
    order_mask = (t > 0.5).astype(t.dtype)
    thisorder = jax.nn.sigmoid((t - 0.5) * 1000.0)
    deltats = order_mask * varm_lab
    eachval = jnp.sum(deltats * thisorder, axis=1)
    # bound penalty: mask = (tup == tlow); sum |t[mask] - tlow[mask]|
    bmask = (tup == tlow).astype(t.dtype)
    eachb = jnp.sum(bmask * jnp.abs(t - tlow), axis=1)
    # cost term: sigmoid((t - 0.5) * 1000) . costs
    cost = jnp.sum(thisorder * COSTS[None, :], axis=1)
    labvar = eachval * WDX - eachb * WLB - cost * WC
    return labvar, eachval, eachb, cost


def reference(Xprev, Xpost, t, tup, tlow):
    labvar, eachval, eachb, cost = _labvar(Xprev, Xpost, t, tup, tlow)
    return (labvar, jnp.mean(eachval), jnp.mean(eachb), jnp.mean(cost))

if __name__ == "__main__":
    import jax
    _d = setup_inputs()
    print(jax.jit(kernel)(*tuple(_d.values())))

</pallas_src>

<mosaic_0001>
#map = affine_map<(d0, d1) -> (0, 0, 0)>
#map1 = affine_map<(d0, d1) -> (0, 0)>
#map2 = affine_map<(d0, d1) -> (0)>
module attributes {stable_mosaic.version = 14 : i64} {
  func.func @_body(%arg0: i32, %arg1: i32, %arg2: memref<128x512x512xf32, #tpu.memory_space<hbm>>, %arg3: memref<128x512x512xf32, #tpu.memory_space<hbm>>, %arg4: memref<128x128xf32, #tpu.memory_space<hbm>>, %arg5: memref<4096xf32, #tpu.memory_space<hbm>>, %arg6: memref<256x128xf32, #tpu.memory_space<vmem>>, %arg7: memref<128x128xf32, #tpu.memory_space<vmem>>, %arg8: memref<128xf32, #tpu.memory_space<vmem>>) attributes {dimension_semantics = [#tpu.dimension_semantics<core_parallel>, #tpu.dimension_semantics<subcore_parallel>], iteration_bounds = array<i64: 2, 16>, scalar_prefetch = 0 : i64, scratch_operands = 3 : i64, tpu.core_type = #tpu.core_type<sc_vector_subcore>, window_params = [{transform_indices = #map}, {transform_indices = #map}, {transform_indices = #map1}, {transform_indices = #map2}]} {
    %mul3A = arith.constant 2 : i32
    %mul3A_0 = arith.muli %arg1, %mul3A : i32
    %add3A = arith.addi %mul3A_0, %arg0 : i32
    %mul3A_1 = arith.constant 4 : i32
    %mul3A_2 = arith.muli %add3A, %mul3A_1 : i32
    "tpu.region"() ({
      %run_scoped3A = tpu.sem_alloc : memref<!tpu.dma_semaphore, #tpu.memory_space<semaphore_mem>>
      tpu.enqueue_dma source(%arg4 : memref<128x128xf32, #tpu.memory_space<hbm>>) target(%arg7 : memref<128x128xf32, #tpu.memory_space<vmem>>) target_semaphore(%run_scoped3A : memref<!tpu.dma_semaphore, #tpu.memory_space<semaphore_mem>>)
      tpu.wait_dma2 semaphore(%run_scoped3A : memref<!tpu.dma_semaphore, #tpu.memory_space<semaphore_mem>>) src(%arg4 : memref<128x128xf32, #tpu.memory_space<hbm>>) dst(%arg7 : memref<128x128xf32, #tpu.memory_space<vmem>>)
      tpu.yield
    }) : () -> ()
    %iota3A = tpu.iota {dimensions = array<i32: 0>} : vector<16xi32>
    %broadcast_in_dim3A = arith.constant 5.000000e-01 : f32
    %broadcast_in_dim3A_3 = vector.broadcast %broadcast_in_dim3A : f32 to vector<16xf32>
    %broadcast_in_dim3A_4 = arith.constant 1.000000e+03 : f32
    %broadcast_in_dim3A_5 = vector.broadcast %broadcast_in_dim3A_4 : f32 to vector<16xf32>
    %broadcast_in_dim3A_6 = arith.constant 1.000000e+00 : f32
    %broadcast_in_dim3A_7 = vector.broadcast %broadcast_in_dim3A_6 : f32 to vector<16xf32>
    %broadcast_in_dim3A_8 = arith.constant 0.000000e+00 : f32
    %broadcast_in_dim3A_9 = vector.broadcast %broadcast_in_dim3A_8 : f32 to vector<16xf32>
    %add3A_10 = arith.constant 0 : i32
    %add3A_11 = arith.addi %mul3A_2, %add3A_10 : i32
    "tpu.region"() ({
      %run_scoped3A = tpu.sem_alloc : memref<!tpu.dma_semaphore, #tpu.memory_space<semaphore_mem>>
      %dma_start3A = arith.constant 0 : i32
      %dma_start3A_529 = arith.constant 0 : i32
      %dma_start3A_530 = tpu.memref_slice %arg2[%add3A_11, %dma_start3A, %dma_start3A_529] : memref<128x512x512xf32, #tpu.memory_space<hbm>> -> memref<1x256x128xf32, #tpu.memory_space<hbm>>
      %dma_start3A_531 = tpu.memref_squeeze %dma_start3A_530 : memref<1x256x128xf32, #tpu.memory_space<hbm>> -> memref<256x128xf32, #tpu.memory_space<hbm>>
      %dma_start3A_532 = arith.constant 0 : i32
      %dma_start3A_533 = arith.constant 0 : i32
      %dma_start3A_534 = tpu.memref_slice %arg2[%add3A_11, %dma_start3A_532, %dma_start3A_533] : memref<128x512x512xf32, #tpu.memory_space<hbm>> -> memref<1x256x128xf32, #tpu.memory_space<hbm>>
      %dma_start3A_535 = tpu.memref_squeeze %dma_start3A_534 : memref<1x256x128xf32, #tpu.memory_space<hbm>> -> memref<256x128xf32, #tpu.memory_space<hbm>>
      tpu.enqueue_dma source(%dma_start3A_535 : memref<256x128xf32, #tpu.memory_space<hbm>>) target(%arg6 : memref<256x128xf32, #tpu.memory_space<vmem>>) target_semaphore(%run_scoped3A : memref<!tpu.dma_semaphore, #tpu.memory_space<semaphore_mem>>)
      %dma_wait3A = arith.constant 0 : i32
      %dma_wait3A_536 = arith.constant 0 : i32
      %dma_wait3A_537 = tpu.memref_slice %arg2[%add3A_11, %dma_wait3A, %dma_wait3A_536] : memref<128x512x512xf32, #tpu.memory_space<hbm>> -> memref<1x256x128xf32, #tpu.memory_space<hbm>>
      %dma_wait3A_538 = tpu.memref_squeeze %dma_wait3A_537 : memref<1x256x128xf32, #tpu.memory_space<hbm>> -> memref<256x128xf32, #tpu.memory_space<hbm>>
      %dma_wait3A_539 = arith.constant 0 : i32
      %dma_wait3A_540 = arith.constant 0 : i32
      %dma_wait3A_541 = tpu.memref_slice %arg2[%add3A_11, %dma_wait3A_539, %dma_wait3A_540] : memref<128x512x512xf32, #tpu.memory_space<hbm>> -> memref<1x256x128xf32, #tpu.memory_space<hbm>>
      %dma_wait3A_542 = tpu.memref_squeeze %dma_wait3A_541 : memref<1x256x128xf32, #tpu.memory_space<hbm>> -> memref<256x128xf32, #tpu.memory_space<hbm>>
      tpu.wait_dma2 semaphore(%run_scoped3A : memref<!tpu.dma_semaphore, #tpu.memory_space<semaphore_mem>>) src(%dma_wait3A_542 : memref<256x128xf32, #tpu.memory_space<hbm>>) dst(%arg6 : memref<256x128xf32, #tpu.memory_space<vmem>>)
      tpu.yield
    }) : () -> ()
    %scan3A = arith.constant 0 : i32
    %scan3A_12 = arith.constant 256 : i32
    %scan3A_13 = arith.addi %scan3A, %scan3A_12 : i32
    %scan3A_14 = arith.constant 1 : i32
    %scan3A_15:2 = scf.for %scan3A_529 = %scan3A to %scan3A_13 step %scan3A_14 iter_args(%scan3A_530 = %broadcast_in_dim3A_9, %scan3A_531 = %broadcast_in_dim3A_9) -> (vector<16xf32>, vector<16xf32>)  : i32 {
      %get3A_532 = arith.index_cast %scan3A_529 : i32 to index
      %get3A_533 = arith.constant 0 : index
      %get3A_534 = tpu.vector_load %arg6[%get3A_532, %get3A_533] {strides = array<i32>} : memref<256x128xf32, #tpu.memory_space<vmem>>, vector<16xf32>,
      %add3A_535 = arith.addf %scan3A_530, %get3A_534 : vector<16xf32>
      %get3A_536 = arith.index_cast %scan3A_529 : i32 to index
      %get3A_537 = arith.constant 16 : index
      %get3A_538 = tpu.vector_load %arg6[%get3A_536, %get3A_537] {strides = array<i32>} : memref<256x128xf32, #tpu.memory_space<vmem>>, vector<16xf32>,
      %add3A_539 = arith.addf %scan3A_531, %get3A_538 : vector<16xf32>
      scf.yield %add3A_535, %add3A_539 : vector<16xf32>, vector<16xf32>
    }
    %scan3A_16 = arith.constant 256 : i32
    "tpu.region"() ({
      %run_scoped3A = tpu.sem_alloc : memref<!tpu.dma_semaphore, #tpu.memory_space<semaphore_mem>>
      %dma_start3A = arith.constant 256 : i32
      %dma_start3A_529 = arith.constant 0 : i32
      %dma_start3A_530 = tpu.memref_slice %arg2[%add3A_11, %dma_start3A, %dma_start3A_529] : memref<128x512x512xf32, #tpu.memory_space<hbm>> -> memref<1x256x128xf32, #tpu.memory_space<hbm>>
      %dma_start3A_531 = tpu.memref_squeeze %dma_start3A_530 : memref<1x256x128xf32, #tpu.memory_space<hbm>> -> memref<256x128xf32, #tpu.memory_space<hbm>>
      %dma_start3A_532 = arith.constant 256 : i32
      %dma_start3A_533 = arith.constant 0 : i32
      %dma_start3A_534 = tpu.memref_slice %arg2[%add3A_11, %dma_start3A_532, %dma_start3A_533] : memref<128x512x512xf32, #tpu.memory_space<hbm>> -> memref<1x256x128xf32, #tpu.memory_space<hbm>>
      %dma_start3A_535 = tpu.memref_squeeze %dma_start3A_534 : memref<1x256x128xf32, #tpu.memory_space<hbm>> -> memref<256x128xf32, #tpu.memory_space<hbm>>
      tpu.enqueue_dma source(%dma_start3A_535 : memref<256x128xf32, #tpu.memory_space<hbm>>) target(%arg6 : memref<256x128xf32, #tpu.memory_space<vmem>>) target_semaphore(%run_scoped3A : memref<!tpu.dma_semaphore, #tpu.memory_space<semaphore_mem>>)
      %dma_wait3A = arith.constant 256 : i32
      %dma_wait3A_536 = arith.constant 0 : i32
      %dma_wait3A_537 = tpu.memref_slice %arg2[%add3A_11, %dma_wait3A, %dma_wait3A_536] : memref<128x512x512xf32, #tpu.memory_space<hbm>> -> memref<1x256x128xf32, #tpu.memory_space<hbm>>
      %dma_wait3A_538 = tpu.memref_squeeze %dma_wait3A_537 : memref<1x256x128xf32, #tpu.memory_space<hbm>> -> memref<256x128xf32, #tpu.memory_space<hbm>>
      %dma_wait3A_539 = arith.constant 256 : i32
      %dma_wait3A_540 = arith.constant 0 : i32
      %dma_wait3A_541 = tpu.memref_slice %arg2[%add3A_11, %dma_wait3A_539, %dma_wait3A_540] : memref<128x512x512xf32, #tpu.memory_space<hbm>> -> memref<1x256x128xf32, #tpu.memory_space<hbm>>
      %dma_wait3A_542 = tpu.memref_squeeze %dma_wait3A_541 : memref<1x256x128xf32, #tpu.memory_space<hbm>> -> memref<256x128xf32, #tpu.memory_space<hbm>>
      tpu.wait_dma2 semaphore(%run_scoped3A : memref<!tpu.dma_semaphore, #tpu.memory_space<semaphore_mem>>) src(%dma_wait3A_542 : memref<256x128xf32, #tpu.memory_space<hbm>>) dst(%arg6 : memref<256x128xf32, #tpu.memory_space<vmem>>)
      tpu.yield
    }) : () -> ()
    %scan3A_17 = arith.constant 0 : i32
    %scan3A_18 = arith.constant 256 : i32
    %scan3A_19 = arith.addi %scan3A_17, %scan3A_18 : i32
    %scan3A_20 = arith.constant 1 : i32
    %scan3A_21:2 = scf.for %scan3A_529 = %scan3A_17 to %scan3A_19 step %scan3A_20 iter_args(%scan3A_530 = %scan3A_15#0, %scan3A_531 = %scan3A_15#1) -> (vector<16xf32>, vector<16xf32>)  : i32 {
      %get3A_532 = arith.index_cast %scan3A_529 : i32 to index
      %get3A_533 = arith.constant 0 : index
      %get3A_534 = tpu.vector_load %arg6[%get3A_532, %get3A_533] {strides = array<i32>} : memref<256x128xf32, #tpu.memory_space<vmem>>, vector<16xf32>,
      %add3A_535 = arith.addf %scan3A_530, %get3A_534 : vector<16xf32>
      %get3A_536 = arith.index_cast %scan3A_529 : i32 to index
      %get3A_537 = arith.constant 16 : index
      %get3A_538 = tpu.vector_load %arg6[%get3A_536, %get3A_537] {strides = array<i32>} : memref<256x128xf32, #tpu.memory_space<vmem>>, vector<16xf32>,
      %add3A_539 = arith.addf %scan3A_531, %get3A_538 : vector<16xf32>
      scf.yield %add3A_535, %add3A_539 : vector<16xf32>, vector<16xf32>
    }
    %scan3A_22 = arith.constant 256 : i32
    "tpu.region"() ({
      %run_scoped3A = tpu.sem_alloc : memref<!tpu.dma_semaphore, #tpu.memory_space<semaphore_mem>>
      %dma_start3A = arith.constant 0 : i32
      %dma_start3A_529 = arith.constant 0 : i32
      %dma_start3A_530 = tpu.memref_slice %arg3[%add3A_11, %dma_start3A, %dma_start3A_529] : memref<128x512x512xf32, #tpu.memory_space<hbm>> -> memref<1x256x128xf32, #tpu.memory_space<hbm>>
      %dma_start3A_531 = tpu.memref_squeeze %dma_start3A_530 : memref<1x256x128xf32, #tpu.memory_space<hbm>> -> memref<256x128xf32, #tpu.memory_space<hbm>>
      %dma_start3A_532 = arith.constant 0 : i32
      %dma_start3A_533 = arith.constant 0 : i32
      %dma_start3A_534 = tpu.memref_slice %arg3[%add3A_11, %dma_start3A_532, %dma_start3A_533] : memref<128x512x512xf32, #tpu.memory_space<hbm>> -> memref<1x256x128xf32, #tpu.memory_space<hbm>>
      %dma_start3A_535 = tpu.memref_squeeze %dma_start3A_534 : memref<1x256x128xf32, #tpu.memory_space<hbm>> -> memref<256x128xf32, #tpu.memory_space<hbm>>
      tpu.enqueue_dma source(%dma_start3A_535 : memref<256x128xf32, #tpu.memory_space<hbm>>) target(%arg6 : memref<256x128xf32, #tpu.memory_space<vmem>>) target_semaphore(%run_scoped3A : memref<!tpu.dma_semaphore, #tpu.memory_space<semaphore_mem>>)
      %dma_wait3A = arith.constant 0 : i32
      %dma_wait3A_536 = arith.constant 0 : i32
      %dma_wait3A_537 = tpu.memref_slice %arg3[%add3A_11, %dma_wait3A, %dma_wait3A_536] : memref<128x512x512xf32, #tpu.memory_space<hbm>> -> memref<1x256x128xf32, #tpu.memory_space<hbm>>
      %dma_wait3A_538 = tpu.memref_squeeze %dma_wait3A_537 : memref<1x256x128xf32, #tpu.memory_space<hbm>> -> memref<256x128xf32, #tpu.memory_space<hbm>>
      %dma_wait3A_539 = arith.constant 0 : i32
      %dma_wait3A_540 = arith.constant 0 : i32
      %dma_wait3A_541 = tpu.memref_slice %arg3[%add3A_11, %dma_wait3A_539, %dma_wait3A_540] : memref<128x512x512xf32, #tpu.memory_space<hbm>> -> memref<1x256x128xf32, #tpu.memory_space<hbm>>
      %dma_wait3A_542 = tpu.memref_squeeze %dma_wait3A_541 : memref<1x256x128xf32, #tpu.memory_space<hbm>> -> memref<256x128xf32, #tpu.memory_space<hbm>>
      tpu.wait_dma2 semaphore(%run_scoped3A : memref<!tpu.dma_semaphore, #tpu.memory_space<semaphore_mem>>) src(%dma_wait3A_542 : memref<256x128xf32, #tpu.memory_space<hbm>>) dst(%arg6 : memref<256x128xf32, #tpu.memory_space<vmem>>)
      tpu.yield
    }) : () -> ()
    %scan3A_23 = arith.constant 0 : i32
    %scan3A_24 = arith.constant 256 : i32
    %scan3A_25 = arith.addi %scan3A_23, %scan3A_24 : i32
    %scan3A_26 = arith.constant 1 : i32
    %scan3A_27:2 = scf.for %scan3A_529 = %scan3A_23 to %scan3A_25 step %scan3A_26 iter_args(%scan3A_530 = %broadcast_in_dim3A_9, %scan3A_531 = %broadcast_in_dim3A_9) -> (vector<16xf32>, vector<16xf32>)  : i32 {
      %get3A_532 = arith.index_cast %scan3A_529 : i32 to index
      %get3A_533 = arith.constant 0 : index
      %get3A_534 = tpu.vector_load %arg6[%get3A_532, %get3A_533] {strides = array<i32>} : memref<256x128xf32, #tpu.memory_space<vmem>>, vector<16xf32>,
      %add3A_535 = arith.addf %scan3A_530, %get3A_534 : vector<16xf32>
      %get3A_536 = arith.index_cast %scan3A_529 : i32 to index
      %get3A_537 = arith.constant 16 : index
      %get3A_538 = tpu.vector_load %arg6[%get3A_536, %get3A_537] {strides = array<i32>} : memref<256x128xf32, #tpu.memory_space<vmem>>, vector<16xf32>,
      %add3A_539 = arith.addf %scan3A_531, %get3A_538 : vector<16xf32>
      scf.yield %add3A_535, %add3A_539 : vector<16xf32>, vector<16xf32>
    }
    %scan3A_28 = arith.constant 256 : i32
    "tpu.region"() ({
      %run_scoped3A = tpu.sem_alloc : memref<!tpu.dma_semaphore, #tpu.memory_space<semaphore_mem>>
      %dma_start3A = arith.constant 256 : i32
      %dma_start3A_529 = arith.constant 0 : i32
      %dma_start3A_530 = tpu.memref_slice %arg3[%add3A_11, %dma_start3A, %dma_start3A_529] : memref<128x512x512xf32, #tpu.memory_space<hbm>> -> memref<1x256x128xf32, #tpu.memory_space<hbm>>
      %dma_start3A_531 = tpu.memref_squeeze %dma_start3A_530 : memref<1x256x128xf32, #tpu.memory_space<hbm>> -> memref<256x128xf32, #tpu.memory_space<hbm>>
      %dma_start3A_532 = arith.constant 256 : i32
      %dma_start3A_533 = arith.constant 0 : i32
      %dma_start3A_534 = tpu.memref_slice %arg3[%add3A_11, %dma_start3A_532, %dma_start3A_533] : memref<128x512x512xf32, #tpu.memory_space<hbm>> -> memref<1x256x128xf32, #tpu.memory_space<hbm>>
      %dma_start3A_535 = tpu.memref_squeeze %dma_start3A_534 : memref<1x256x128xf32, #tpu.memory_space<hbm>> -> memref<256x128xf32, #tpu.memory_space<hbm>>
      tpu.enqueue_dma source(%dma_start3A_535 : memref<256x128xf32, #tpu.memory_space<hbm>>) target(%arg6 : memref<256x128xf32, #tpu.memory_space<vmem>>) target_semaphore(%run_scoped3A : memref<!tpu.dma_semaphore, #tpu.memory_space<semaphore_mem>>)
      %dma_wait3A = arith.constant 256 : i32
      %dma_wait3A_536 = arith.constant 0 : i32
      %dma_wait3A_537 = tpu.memref_slice %arg3[%add3A_11, %dma_wait3A, %dma_wait3A_536] : memref<128x512x512xf32, #tpu.memory_space<hbm>> -> memref<1x256x128xf32, #tpu.memory_space<hbm>>
      %dma_wait3A_538 = tpu.memref_squeeze %dma_wait3A_537 : memref<1x256x128xf32, #tpu.memory_space<hbm>> -> memref<256x128xf32, #tpu.memory_space<hbm>>
      %dma_wait3A_539 = arith.constant 256 : i32
      %dma_wait3A_540 = arith.constant 0 : i32
      %dma_wait3A_541 = tpu.memref_slice %arg3[%add3A_11, %dma_wait3A_539, %dma_wait3A_540] : memref<128x512x512xf32, #tpu.memory_space<hbm>> -> memref<1x256x128xf32, #tpu.memory_space<hbm>>
      %dma_wait3A_542 = tpu.memref_squeeze %dma_wait3A_541 : memref<1x256x128xf32, #tpu.memory_space<hbm>> -> memref<256x128xf32, #tpu.memory_space<hbm>>
      tpu.wait_dma2 semaphore(%run_scoped3A : memref<!tpu.dma_semaphore, #tpu.memory_space<semaphore_mem>>) src(%dma_wait3A_542 : memref<256x128xf32, #tpu.memory_space<hbm>>) dst(%arg6 : memref<256x128xf32, #tpu.memory_space<vmem>>)
      tpu.yield
    }) : () -> ()
    %scan3A_29 = arith.constant 0 : i32
    %scan3A_30 = arith.constant 256 : i32
    %scan3A_31 = arith.addi %scan3A_29, %scan3A_30 : i32
    %scan3A_32 = arith.constant 1 : i32
    %scan3A_33:2 = scf.for %scan3A_529 = %scan3A_29 to %scan3A_31 step %scan3A_32 iter_args(%scan3A_530 = %scan3A_27#0, %scan3A_531 = %scan3A_27#1) -> (vector<16xf32>, vector<16xf32>)  : i32 {
      %get3A_532 = arith.index_cast %scan3A_529 : i32 to index
      %get3A_533 = arith.constant 0 : index
      %get3A_534 = tpu.vector_load %arg6[%get3A_532, %get3A_533] {strides = array<i32>} : memref<256x128xf32, #tpu.memory_space<vmem>>, vector<16xf32>,
      %add3A_535 = arith.addf %scan3A_530, %get3A_534 : vector<16xf32>
      %get3A_536 = arith.index_cast %scan3A_529 : i32 to index
      %get3A_537 = arith.constant 16 : index
      %get3A_538 = tpu.vector_load %arg6[%get3A_536, %get3A_537] {strides = array<i32>} : memref<256x128xf32, #tpu.memory_space<vmem>>, vector<16xf32>,
      %add3A_539 = arith.addf %scan3A_531, %get3A_538 : vector<16xf32>
      scf.yield %add3A_535, %add3A_539 : vector<16xf32>, vector<16xf32>
    }
    %scan3A_34 = arith.constant 256 : i32
    %sub3A = arith.subf %scan3A_21#0, %scan3A_33#0 : vector<16xf32>
    %abs3A = math.absf %sub3A : vector<16xf32>
    %mul3A_35 = arith.constant 0.001953125 : f32
    %mul3A_36 = vector.broadcast %mul3A_35 : f32 to vector<16xf32>
    %mul3A_37 = arith.mulf %abs3A, %mul3A_36 : vector<16xf32>
    %sub3A_38 = arith.subf %scan3A_21#1, %scan3A_33#1 : vector<16xf32>
    %abs3A_39 = math.absf %sub3A_38 : vector<16xf32>
    %mul3A_40 = arith.constant 0.001953125 : f32
    %mul3A_41 = vector.broadcast %mul3A_40 : f32 to vector<16xf32>
    %mul3A_42 = arith.mulf %abs3A_39, %mul3A_41 : vector<16xf32>
    %get3A = arith.index_cast %add3A_11 : i32 to index
    %get3A_43 = arith.constant 0 : index
    %get3A_44 = tpu.vector_load %arg7[%get3A, %get3A_43] {strides = array<i32>} : memref<128x128xf32, #tpu.memory_space<vmem>>, vector<16xf32>,
    %get3A_45 = arith.index_cast %add3A_11 : i32 to index
    %get3A_46 = arith.constant 16 : index
    %get3A_47 = tpu.vector_load %arg7[%get3A_45, %get3A_46] {strides = array<i32>} : memref<128x128xf32, #tpu.memory_space<vmem>>, vector<16xf32>,
    %get3A_48 = arith.index_cast %add3A_11 : i32 to index
    %get3A_49 = arith.constant 32 : index
    %get3A_50 = tpu.vector_load %arg7[%get3A_48, %get3A_49] {strides = array<i32>} : memref<128x128xf32, #tpu.memory_space<vmem>>, vector<16xf32>,
    %get3A_51 = arith.index_cast %add3A_11 : i32 to index
    %get3A_52 = arith.constant 48 : index
    %get3A_53 = tpu.vector_load %arg7[%get3A_51, %get3A_52] {strides = array<i32>} : memref<128x128xf32, #tpu.memory_space<vmem>>, vector<16xf32>,
    %get3A_54 = arith.index_cast %add3A_11 : i32 to index
    %get3A_55 = arith.constant 64 : index
    %get3A_56 = tpu.vector_load %arg7[%get3A_54, %get3A_55] {strides = array<i32>} : memref<128x128xf32, #tpu.memory_space<vmem>>, vector<16xf32>,
    %get3A_57 = arith.index_cast %add3A_11 : i32 to index
    %get3A_58 = arith.constant 80 : index
    %get3A_59 = tpu.vector_load %arg7[%get3A_57, %get3A_58] {strides = array<i32>} : memref<128x128xf32, #tpu.memory_space<vmem>>, vector<16xf32>,
    %gt3A = arith.cmpf ogt, %get3A_44, %broadcast_in_dim3A_3 : vector<16xf32>
    %select_n3A = arith.select %gt3A, %broadcast_in_dim3A_7, %broadcast_in_dim3A_9 : vector<16xi1>, vector<16xf32>
    %sub3A_60 = arith.subf %broadcast_in_dim3A_3, %get3A_44 : vector<16xf32>
    %mul3A_61 = arith.mulf %sub3A_60, %broadcast_in_dim3A_5 : vector<16xf32>
    %exp3A = math.exp %mul3A_61 : vector<16xf32>
    %add3A_62 = arith.addf %broadcast_in_dim3A_7, %exp3A : vector<16xf32>
    %div3A = arith.divf %broadcast_in_dim3A_7, %add3A_62 : vector<16xf32>
    %mul3A_63 = arith.mulf %select_n3A, %div3A : vector<16xf32>
    %gt3A_64 = arith.cmpf ogt, %get3A_47, %broadcast_in_dim3A_3 : vector<16xf32>
    %select_n3A_65 = arith.select %gt3A_64, %broadcast_in_dim3A_7, %broadcast_in_dim3A_9 : vector<16xi1>, vector<16xf32>
    %sub3A_66 = arith.subf %broadcast_in_dim3A_3, %get3A_47 : vector<16xf32>
    %mul3A_67 = arith.mulf %sub3A_66, %broadcast_in_dim3A_5 : vector<16xf32>
    %exp3A_68 = math.exp %mul3A_67 : vector<16xf32>
    %add3A_69 = arith.addf %broadcast_in_dim3A_7, %exp3A_68 : vector<16xf32>
    %div3A_70 = arith.divf %broadcast_in_dim3A_7, %add3A_69 : vector<16xf32>
    %mul3A_71 = arith.mulf %select_n3A_65, %div3A_70 : vector<16xf32>
    %mul3A_72 = arith.mulf %mul3A_37, %mul3A_63 : vector<16xf32>
    %reduce_sum3A = arith.constant true
    %reduce_sum3A_73 = vector.broadcast %reduce_sum3A : i1 to vector<16xi1>
    %reduce_sum3A_74 = tpu.scan <sum>, %mul3A_72 masked %reduce_sum3A_73 : vector<16xf32>, vector<16xi1> -> vector<16xf32>
    %reduce_sum3A_75 = vector.extract %reduce_sum3A_74[15] : f32 from vector<16xf32>
    %mul3A_76 = arith.mulf %mul3A_42, %mul3A_71 : vector<16xf32>
    %reduce_sum3A_77 = arith.constant true
    %reduce_sum3A_78 = vector.broadcast %reduce_sum3A_77 : i1 to vector<16xi1>
    %reduce_sum3A_79 = tpu.scan <sum>, %mul3A_76 masked %reduce_sum3A_78 : vector<16xf32>, vector<16xi1> -> vector<16xf32>
    %reduce_sum3A_80 = vector.extract %reduce_sum3A_79[15] : f32 from vector<16xf32>
    %add3A_81 = arith.addf %reduce_sum3A_75, %reduce_sum3A_80 : f32
    %eq3A = arith.cmpf oeq, %get3A_53, %get3A_56 : vector<16xf32>
    %select_n3A_82 = arith.select %eq3A, %broadcast_in_dim3A_7, %broadcast_in_dim3A_9 : vector<16xi1>, vector<16xf32>
    %sub3A_83 = arith.subf %get3A_50, %get3A_56 : vector<16xf32>
    %abs3A_84 = math.absf %sub3A_83 : vector<16xf32>
    %mul3A_85 = arith.mulf %select_n3A_82, %abs3A_84 : vector<16xf32>
    %reduce_sum3A_86 = arith.constant true
    %reduce_sum3A_87 = vector.broadcast %reduce_sum3A_86 : i1 to vector<16xi1>
    %reduce_sum3A_88 = tpu.scan <sum>, %mul3A_85 masked %reduce_sum3A_87 : vector<16xf32>, vector<16xi1> -> vector<16xf32>
    %reduce_sum3A_89 = vector.extract %reduce_sum3A_88[15] : f32 from vector<16xf32>
    %sub3A_90 = arith.subf %broadcast_in_dim3A_3, %get3A_50 : vector<16xf32>
    %mul3A_91 = arith.mulf %sub3A_90, %broadcast_in_dim3A_5 : vector<16xf32>
    %exp3A_92 = math.exp %mul3A_91 : vector<16xf32>
    %add3A_93 = arith.addf %broadcast_in_dim3A_7, %exp3A_92 : vector<16xf32>
    %div3A_94 = arith.divf %broadcast_in_dim3A_7, %add3A_93 : vector<16xf32>
    %mul3A_95 = arith.mulf %div3A_94, %get3A_59 : vector<16xf32>
    %reduce_sum3A_96 = arith.constant true
    %reduce_sum3A_97 = vector.broadcast %reduce_sum3A_96 : i1 to vector<16xi1>
    %reduce_sum3A_98 = tpu.scan <sum>, %mul3A_95 masked %reduce_sum3A_97 : vector<16xf32>, vector<16xi1> -> vector<16xf32>
    %reduce_sum3A_99 = vector.extract %reduce_sum3A_98[15] : f32 from vector<16xf32>
    %mul3A_100 = arith.constant 1.000000e+00 : f32
    %mul3A_101 = arith.mulf %add3A_81, %mul3A_100 : f32
    %mul3A_102 = arith.constant 1.000000e+00 : f32
    %mul3A_103 = arith.mulf %reduce_sum3A_89, %mul3A_102 : f32
    %sub3A_104 = arith.subf %mul3A_101, %mul3A_103 : f32
    %mul3A_105 = arith.constant 1.000000e+00 : f32
    %mul3A_106 = arith.mulf %reduce_sum3A_99, %mul3A_105 : f32
    %sub3A_107 = arith.subf %sub3A_104, %mul3A_106 : f32
    %eq3A_108 = arith.constant 0 : i32
    %eq3A_109 = vector.broadcast %eq3A_108 : i32 to vector<16xi32>
    %eq3A_110 = arith.cmpi eq, %iota3A, %eq3A_109 : vector<16xi32>
    %broadcast_in_dim3A_111 = vector.broadcast %sub3A_107 : f32 to vector<16xf32>
    %select_n3A_112 = arith.select %eq3A_110, %broadcast_in_dim3A_111, %broadcast_in_dim3A_9 : vector<16xi1>, vector<16xf32>
    %eq3A_113 = arith.constant 4 : i32
    %eq3A_114 = vector.broadcast %eq3A_113 : i32 to vector<16xi32>
    %eq3A_115 = arith.cmpi eq, %iota3A, %eq3A_114 : vector<16xi32>
    %broadcast_in_dim3A_116 = vector.broadcast %add3A_81 : f32 to vector<16xf32>
    %select_n3A_117 = arith.select %eq3A_115, %broadcast_in_dim3A_116, %select_n3A_112 : vector<16xi1>, vector<16xf32>
    %eq3A_118 = arith.constant 8 : i32
    %eq3A_119 = vector.broadcast %eq3A_118 : i32 to vector<16xi32>
    %eq3A_120 = arith.cmpi eq, %iota3A, %eq3A_119 : vector<16xi32>
    %broadcast_in_dim3A_121 = vector.broadcast %reduce_sum3A_89 : f32 to vector<16xf32>
    %select_n3A_122 = arith.select %eq3A_120, %broadcast_in_dim3A_121, %select_n3A_117 : vector<16xi1>, vector<16xf32>
    %eq3A_123 = arith.constant 12 : i32
    %eq3A_124 = vector.broadcast %eq3A_123 : i32 to vector<16xi32>
    %eq3A_125 = arith.cmpi eq, %iota3A, %eq3A_124 : vector<16xi32>
    %broadcast_in_dim3A_126 = vector.broadcast %reduce_sum3A_99 : f32 to vector<16xf32>
    %select_n3A_127 = arith.select %eq3A_125, %broadcast_in_dim3A_126, %select_n3A_122 : vector<16xi1>, vector<16xf32>
    %add3A_128 = arith.constant 1 : i32
    %add3A_129 = arith.addi %mul3A_2, %add3A_128 : i32
    "tpu.region"() ({
      %run_scoped3A = tpu.sem_alloc : memref<!tpu.dma_semaphore, #tpu.memory_space<semaphore_mem>>
      %dma_start3A = arith.constant 0 : i32
      %dma_start3A_529 = arith.constant 0 : i32
      %dma_start3A_530 = tpu.memref_slice %arg2[%add3A_129, %dma_start3A, %dma_start3A_529] : memref<128x512x512xf32, #tpu.memory_space<hbm>> -> memref<1x256x128xf32, #tpu.memory_space<hbm>>
      %dma_start3A_531 = tpu.memref_squeeze %dma_start3A_530 : memref<1x256x128xf32, #tpu.memory_space<hbm>> -> memref<256x128xf32, #tpu.memory_space<hbm>>
      %dma_start3A_532 = arith.constant 0 : i32
      %dma_start3A_533 = arith.constant 0 : i32
      %dma_start3A_534 = tpu.memref_slice %arg2[%add3A_129, %dma_start3A_532, %dma_start3A_533] : memref<128x512x512xf32, #tpu.memory_space<hbm>> -> memref<1x256x128xf32, #tpu.memory_space<hbm>>
      %dma_start3A_535 = tpu.memref_squeeze %dma_start3A_534 : memref<1x256x128xf32, #tpu.memory_space<hbm>> -> memref<256x128xf32, #tpu.memory_space<hbm>>
      tpu.enqueue_dma source(%dma_start3A_535 : memref<256x128xf32, #tpu.memory_space<hbm>>) target(%arg6 : memref<256x128xf32, #tpu.memory_space<vmem>>) target_semaphore(%run_scoped3A : memref<!tpu.dma_semaphore, #tpu.memory_space<semaphore_mem>>)
      %dma_wait3A = arith.constant 0 : i32
      %dma_wait3A_536 = arith.constant 0 : i32
      %dma_wait3A_537 = tpu.memref_slice %arg2[%add3A_129, %dma_wait3A, %dma_wait3A_536] : memref<128x512x512xf32, #tpu.memory_space<hbm>> -> memref<1x256x128xf32, #tpu.memory_space<hbm>>
      %dma_wait3A_538 = tpu.memref_squeeze %dma_wait3A_537 : memref<1x256x128xf32, #tpu.memory_space<hbm>> -> memref<256x128xf32, #tpu.memory_space<hbm>>
      %dma_wait3A_539 = arith.constant 0 : i32
      %dma_wait3A_540 = arith.constant 0 : i32
      %dma_wait3A_541 = tpu.memref_slice %arg2[%add3A_129, %dma_wait3A_539, %dma_wait3A_540] : memref<128x512x512xf32, #tpu.memory_space<hbm>> -> memref<1x256x128xf32, #tpu.memory_space<hbm>>
      %dma_wait3A_542 = tpu.memref_squeeze %dma_wait3A_541 : memref<1x256x128xf32, #tpu.memory_space<hbm>> -> memref<256x128xf32, #tpu.memory_space<hbm>>
      tpu.wait_dma2 semaphore(%run_scoped3A : memref<!tpu.dma_semaphore, #tpu.memory_space<semaphore_mem>>) src(%dma_wait3A_542 : memref<256x128xf32, #tpu.memory_space<hbm>>) dst(%arg6 : memref<256x128xf32, #tpu.memory_space<vmem>>)
      tpu.yield
    }) : () -> ()
    %scan3A_130 = arith.constant 0 : i32
    %scan3A_131 = arith.constant 256 : i32
    %scan3A_132 = arith.addi %scan3A_130, %scan3A_131 : i32
    %scan3A_133 = arith.constant 1 : i32
    %scan3A_134:2 = scf.for %scan3A_529 = %scan3A_130 to %scan3A_132 step %scan3A_133 iter_args(%scan3A_530 = %broadcast_in_dim3A_9, %scan3A_531 = %broadcast_in_dim3A_9) -> (vector<16xf32>, vector<16xf32>)  : i32 {
      %get3A_532 = arith.index_cast %scan3A_529 : i32 to index
      %get3A_533 = arith.constant 0 : index
      %get3A_534 = tpu.vector_load %arg6[%get3A_532, %get3A_533] {strides = array<i32>} : memref<256x128xf32, #tpu.memory_space<vmem>>, vector<16xf32>,
      %add3A_535 = arith.addf %scan3A_530, %get3A_534 : vector<16xf32>
      %get3A_536 = arith.index_cast %scan3A_529 : i32 to index
      %get3A_537 = arith.constant 16 : index
      %get3A_538 = tpu.vector_load %arg6[%get3A_536, %get3A_537] {strides = array<i32>} : memref<256x128xf32, #tpu.memory_space<vmem>>, vector<16xf32>,
      %add3A_539 = arith.addf %scan3A_531, %get3A_538 : vector<16xf32>
      scf.yield %add3A_535, %add3A_539 : vector<16xf32>, vector<16xf32>
    }
    %scan3A_135 = arith.constant 256 : i32
    "tpu.region"() ({
      %run_scoped3A = tpu.sem_alloc : memref<!tpu.dma_semaphore, #tpu.memory_space<semaphore_mem>>
      %dma_start3A = arith.constant 256 : i32
      %dma_start3A_529 = arith.constant 0 : i32
      %dma_start3A_530 = tpu.memref_slice %arg2[%add3A_129, %dma_start3A, %dma_start3A_529] : memref<128x512x512xf32, #tpu.memory_space<hbm>> -> memref<1x256x128xf32, #tpu.memory_space<hbm>>
      %dma_start3A_531 = tpu.memref_squeeze %dma_start3A_530 : memref<1x256x128xf32, #tpu.memory_space<hbm>> -> memref<256x128xf32, #tpu.memory_space<hbm>>
      %dma_start3A_532 = arith.constant 256 : i32
      %dma_start3A_533 = arith.constant 0 : i32
      %dma_start3A_534 = tpu.memref_slice %arg2[%add3A_129, %dma_start3A_532, %dma_start3A_533] : memref<128x512x512xf32, #tpu.memory_space<hbm>> -> memref<1x256x128xf32, #tpu.memory_space<hbm>>
      %dma_start3A_535 = tpu.memref_squeeze %dma_start3A_534 : memref<1x256x128xf32, #tpu.memory_space<hbm>> -> memref<256x128xf32, #tpu.memory_space<hbm>>
      tpu.enqueue_dma source(%dma_start3A_535 : memref<256x128xf32, #tpu.memory_space<hbm>>) target(%arg6 : memref<256x128xf32, #tpu.memory_space<vmem>>) target_semaphore(%run_scoped3A : memref<!tpu.dma_semaphore, #tpu.memory_space<semaphore_mem>>)
      %dma_wait3A = arith.constant 256 : i32
      %dma_wait3A_536 = arith.constant 0 : i32
      %dma_wait3A_537 = tpu.memref_slice %arg2[%add3A_129, %dma_wait3A, %dma_wait3A_536] : memref<128x512x512xf32, #tpu.memory_space<hbm>> -> memref<1x256x128xf32, #tpu.memory_space<hbm>>
      %dma_wait3A_538 = tpu.memref_squeeze %dma_wait3A_537 : memref<1x256x128xf32, #tpu.memory_space<hbm>> -> memref<256x128xf32, #tpu.memory_space<hbm>>
      %dma_wait3A_539 = arith.constant 256 : i32
      %dma_wait3A_540 = arith.constant 0 : i32
      %dma_wait3A_541 = tpu.memref_slice %arg2[%add3A_129, %dma_wait3A_539, %dma_wait3A_540] : memref<128x512x512xf32, #tpu.memory_space<hbm>> -> memref<1x256x128xf32, #tpu.memory_space<hbm>>
      %dma_wait3A_542 = tpu.memref_squeeze %dma_wait3A_541 : memref<1x256x128xf32, #tpu.memory_space<hbm>> -> memref<256x128xf32, #tpu.memory_space<hbm>>
      tpu.wait_dma2 semaphore(%run_scoped3A : memref<!tpu.dma_semaphore, #tpu.memory_space<semaphore_mem>>) src(%dma_wait3A_542 : memref<256x128xf32, #tpu.memory_space<hbm>>) dst(%arg6 : memref<256x128xf32, #tpu.memory_space<vmem>>)
      tpu.yield
    }) : () -> ()
    %scan3A_136 = arith.constant 0 : i32
    %scan3A_137 = arith.constant 256 : i32
    %scan3A_138 = arith.addi %scan3A_136, %scan3A_137 : i32
    %scan3A_139 = arith.constant 1 : i32
    %scan3A_140:2 = scf.for %scan3A_529 = %scan3A_136 to %scan3A_138 step %scan3A_139 iter_args(%scan3A_530 = %scan3A_134#0, %scan3A_531 = %scan3A_134#1) -> (vector<16xf32>, vector<16xf32>)  : i32 {
      %get3A_532 = arith.index_cast %scan3A_529 : i32 to index
      %get3A_533 = arith.constant 0 : index
      %get3A_534 = tpu.vector_load %arg6[%get3A_532, %get3A_533] {strides = array<i32>} : memref<256x128xf32, #tpu.memory_space<vmem>>, vector<16xf32>,
      %add3A_535 = arith.addf %scan3A_530, %get3A_534 : vector<16xf32>
      %get3A_536 = arith.index_cast %scan3A_529 : i32 to index
      %get3A_537 = arith.constant 16 : index
      %get3A_538 = tpu.vector_load %arg6[%get3A_536, %get3A_537] {strides = array<i32>} : memref<256x128xf32, #tpu.memory_space<vmem>>, vector<16xf32>,
      %add3A_539 = arith.addf %scan3A_531, %get3A_538 : vector<16xf32>
      scf.yield %add3A_535, %add3A_539 : vector<16xf32>, vector<16xf32>
    }
    %scan3A_141 = arith.constant 256 : i32
    "tpu.region"() ({
      %run_scoped3A = tpu.sem_alloc : memref<!tpu.dma_semaphore, #tpu.memory_space<semaphore_mem>>
      %dma_start3A = arith.constant 0 : i32
      %dma_start3A_529 = arith.constant 0 : i32
      %dma_start3A_530 = tpu.memref_slice %arg3[%add3A_129, %dma_start3A, %dma_start3A_529] : memref<128x512x512xf32, #tpu.memory_space<hbm>> -> memref<1x256x128xf32, #tpu.memory_space<hbm>>
      %dma_start3A_531 = tpu.memref_squeeze %dma_start3A_530 : memref<1x256x128xf32, #tpu.memory_space<hbm>> -> memref<256x128xf32, #tpu.memory_space<hbm>>
      %dma_start3A_532 = arith.constant 0 : i32
      %dma_start3A_533 = arith.constant 0 : i32
      %dma_start3A_534 = tpu.memref_slice %arg3[%add3A_129, %dma_start3A_532, %dma_start3A_533] : memref<128x512x512xf32, #tpu.memory_space<hbm>> -> memref<1x256x128xf32, #tpu.memory_space<hbm>>
      %dma_start3A_535 = tpu.memref_squeeze %dma_start3A_534 : memref<1x256x128xf32, #tpu.memory_space<hbm>> -> memref<256x128xf32, #tpu.memory_space<hbm>>
      tpu.enqueue_dma source(%dma_start3A_535 : memref<256x128xf32, #tpu.memory_space<hbm>>) target(%arg6 : memref<256x128xf32, #tpu.memory_space<vmem>>) target_semaphore(%run_scoped3A : memref<!tpu.dma_semaphore, #tpu.memory_space<semaphore_mem>>)
      %dma_wait3A = arith.constant 0 : i32
      %dma_wait3A_536 = arith.constant 0 : i32
      %dma_wait3A_537 = tpu.memref_slice %arg3[%add3A_129, %dma_wait3A, %dma_wait3A_536] : memref<128x512x512xf32, #tpu.memory_space<hbm>> -> memref<1x256x128xf32, #tpu.memory_space<hbm>>
      %dma_wait3A_538 = tpu.memref_squeeze %dma_wait3A_537 : memref<1x256x128xf32, #tpu.memory_space<hbm>> -> memref<256x128xf32, #tpu.memory_space<hbm>>
      %dma_wait3A_539 = arith.constant 0 : i32
      %dma_wait3A_540 = arith.constant 0 : i32
      %dma_wait3A_541 = tpu.memref_slice %arg3[%add3A_129, %dma_wait3A_539, %dma_wait3A_540] : memref<128x512x512xf32, #tpu.memory_space<hbm>> -> memref<1x256x128xf32, #tpu.memory_space<hbm>>
      %dma_wait3A_542 = tpu.memref_squeeze %dma_wait3A_541 : memref<1x256x128xf32, #tpu.memory_space<hbm>> -> memref<256x128xf32, #tpu.memory_space<hbm>>
      tpu.wait_dma2 semaphore(%run_scoped3A : memref<!tpu.dma_semaphore, #tpu.memory_space<semaphore_mem>>) src(%dma_wait3A_542 : memref<256x128xf32, #tpu.memory_space<hbm>>) dst(%arg6 : memref<256x128xf32, #tpu.memory_space<vmem>>)
      tpu.yield
    }) : () -> ()
    %scan3A_142 = arith.constant 0 : i32
    %scan3A_143 = arith.constant 256 : i32
    %scan3A_144 = arith.addi %scan3A_142, %scan3A_143 : i32
    %scan3A_145 = arith.constant 1 : i32
    %scan3A_146:2 = scf.for %scan3A_529 = %scan3A_142 to %scan3A_144 step %scan3A_145 iter_args(%scan3A_530 = %broadcast_in_dim3A_9, %scan3A_531 = %broadcast_in_dim3A_9) -> (vector<16xf32>, vector<16xf32>)  : i32 {
      %get3A_532 = arith.index_cast %scan3A_529 : i32 to index
      %get3A_533 = arith.constant 0 : index
      %get3A_534 = tpu.vector_load %arg6[%get3A_532, %get3A_533] {strides = array<i32>} : memref<256x128xf32, #tpu.memory_space<vmem>>, vector<16xf32>,
      %add3A_535 = arith.addf %scan3A_530, %get3A_534 : vector<16xf32>
      %get3A_536 = arith.index_cast %scan3A_529 : i32 to index
      %get3A_537 = arith.constant 16 : index
      %get3A_538 = tpu.vector_load %arg6[%get3A_536, %get3A_537] {strides = array<i32>} : memref<256x128xf32, #tpu.memory_space<vmem>>, vector<16xf32>,
      %add3A_539 = arith.addf %scan3A_531, %get3A_538 : vector<16xf32>
      scf.yield %add3A_535, %add3A_539 : vector<16xf32>, vector<16xf32>
    }
    %scan3A_147 = arith.constant 256 : i32
    "tpu.region"() ({
      %run_scoped3A = tpu.sem_alloc : memref<!tpu.dma_semaphore, #tpu.memory_space<semaphore_mem>>
      %dma_start3A = arith.constant 256 : i32
      %dma_start3A_529 = arith.constant 0 : i32
      %dma_start3A_530 = tpu.memref_slice %arg3[%add3A_129, %dma_start3A, %dma_start3A_529] : memref<128x512x512xf32, #tpu.memory_space<hbm>> -> memref<1x256x128xf32, #tpu.memory_space<hbm>>
      %dma_start3A_531 = tpu.memref_squeeze %dma_start3A_530 : memref<1x256x128xf32, #tpu.memory_space<hbm>> -> memref<256x128xf32, #tpu.memory_space<hbm>>
      %dma_start3A_532 = arith.constant 256 : i32
      %dma_start3A_533 = arith.constant 0 : i32
      %dma_start3A_534 = tpu.memref_slice %arg3[%add3A_129, %dma_start3A_532, %dma_start3A_533] : memref<128x512x512xf32, #tpu.memory_space<hbm>> -> memref<1x256x128xf32, #tpu.memory_space<hbm>>
      %dma_start3A_535 = tpu.memref_squeeze %dma_start3A_534 : memref<1x256x128xf32, #tpu.memory_space<hbm>> -> memref<256x128xf32, #tpu.memory_space<hbm>>
      tpu.enqueue_dma source(%dma_start3A_535 : memref<256x128xf32, #tpu.memory_space<hbm>>) target(%arg6 : memref<256x128xf32, #tpu.memory_space<vmem>>) target_semaphore(%run_scoped3A : memref<!tpu.dma_semaphore, #tpu.memory_space<semaphore_mem>>)
      %dma_wait3A = arith.constant 256 : i32
      %dma_wait3A_536 = arith.constant 0 : i32
      %dma_wait3A_537 = tpu.memref_slice %arg3[%add3A_129, %dma_wait3A, %dma_wait3A_536] : memref<128x512x512xf32, #tpu.memory_space<hbm>> -> memref<1x256x128xf32, #tpu.memory_space<hbm>>
      %dma_wait3A_538 = tpu.memref_squeeze %dma_wait3A_537 : memref<1x256x128xf32, #tpu.memory_space<hbm>> -> memref<256x128xf32, #tpu.memory_space<hbm>>
      %dma_wait3A_539 = arith.constant 256 : i32
      %dma_wait3A_540 = arith.constant 0 : i32
      %dma_wait3A_541 = tpu.memref_slice %arg3[%add3A_129, %dma_wait3A_539, %dma_wait3A_540] : memref<128x512x512xf32, #tpu.memory_space<hbm>> -> memref<1x256x128xf32, #tpu.memory_space<hbm>>
      %dma_wait3A_542 = tpu.memref_squeeze %dma_wait3A_541 : memref<1x256x128xf32, #tpu.memory_space<hbm>> -> memref<256x128xf32, #tpu.memory_space<hbm>>
      tpu.wait_dma2 semaphore(%run_scoped3A : memref<!tpu.dma_semaphore, #tpu.memory_space<semaphore_mem>>) src(%dma_wait3A_542 : memref<256x128xf32, #tpu.memory_space<hbm>>) dst(%arg6 : memref<256x128xf32, #tpu.memory_space<vmem>>)
      tpu.yield
    }) : () -> ()
    %scan3A_148 = arith.constant 0 : i32
    %scan3A_149 = arith.constant 256 : i32
    %scan3A_150 = arith.addi %scan3A_148, %scan3A_149 : i32
    %scan3A_151 = arith.constant 1 : i32
    %scan3A_152:2 = scf.for %scan3A_529 = %scan3A_148 to %scan3A_150 step %scan3A_151 iter_args(%scan3A_530 = %scan3A_146#0, %scan3A_531 = %scan3A_146#1) -> (vector<16xf32>, vector<16xf32>)  : i32 {
      %get3A_532 = arith.index_cast %scan3A_529 : i32 to index
      %get3A_533 = arith.constant 0 : index
      %get3A_534 = tpu.vector_load %arg6[%get3A_532, %get3A_533] {strides = array<i32>} : memref<256x128xf32, #tpu.memory_space<vmem>>, vector<16xf32>,
      %add3A_535 = arith.addf %scan3A_530, %get3A_534 : vector<16xf32>
      %get3A_536 = arith.index_cast %scan3A_529 : i32 to index
      %get3A_537 = arith.constant 16 : index
      %get3A_538 = tpu.vector_load %arg6[%get3A_536, %get3A_537] {strides = array<i32>} : memref<256x128xf32, #tpu.memory_space<vmem>>, vector<16xf32>,
      %add3A_539 = arith.addf %scan3A_531, %get3A_538 : vector<16xf32>
      scf.yield %add3A_535, %add3A_539 : vector<16xf32>, vector<16xf32>
    }
    %scan3A_153 = arith.constant 256 : i32
    %sub3A_154 = arith.subf %scan3A_140#0, %scan3A_152#0 : vector<16xf32>
    %abs3A_155 = math.absf %sub3A_154 : vector<16xf32>
    %mul3A_156 = arith.constant 0.001953125 : f32
    %mul3A_157 = vector.broadcast %mul3A_156 : f32 to vector<16xf32>
    %mul3A_158 = arith.mulf %abs3A_155, %mul3A_157 : vector<16xf32>
    %sub3A_159 = arith.subf %scan3A_140#1, %scan3A_152#1 : vector<16xf32>
    %abs3A_160 = math.absf %sub3A_159 : vector<16xf32>
    %mul3A_161 = arith.constant 0.001953125 : f32
    %mul3A_162 = vector.broadcast %mul3A_161 : f32 to vector<16xf32>
    %mul3A_163 = arith.mulf %abs3A_160, %mul3A_162 : vector<16xf32>
    %get3A_164 = arith.index_cast %add3A_129 : i32 to index
    %get3A_165 = arith.constant 0 : index
    %get3A_166 = tpu.vector_load %arg7[%get3A_164, %get3A_165] {strides = array<i32>} : memref<128x128xf32, #tpu.memory_space<vmem>>, vector<16xf32>,
    %get3A_167 = arith.index_cast %add3A_129 : i32 to index
    %get3A_168 = arith.constant 16 : index
    %get3A_169 = tpu.vector_load %arg7[%get3A_167, %get3A_168] {strides = array<i32>} : memref<128x128xf32, #tpu.memory_space<vmem>>, vector<16xf32>,
    %get3A_170 = arith.index_cast %add3A_129 : i32 to index
    %get3A_171 = arith.constant 32 : index
    %get3A_172 = tpu.vector_load %arg7[%get3A_170, %get3A_171] {strides = array<i32>} : memref<128x128xf32, #tpu.memory_space<vmem>>, vector<16xf32>,
    %get3A_173 = arith.index_cast %add3A_129 : i32 to index
    %get3A_174 = arith.constant 48 : index
    %get3A_175 = tpu.vector_load %arg7[%get3A_173, %get3A_174] {strides = array<i32>} : memref<128x128xf32, #tpu.memory_space<vmem>>, vector<16xf32>,
    %get3A_176 = arith.index_cast %add3A_129 : i32 to index
    %get3A_177 = arith.constant 64 : index
    %get3A_178 = tpu.vector_load %arg7[%get3A_176, %get3A_177] {strides = array<i32>} : memref<128x128xf32, #tpu.memory_space<vmem>>, vector<16xf32>,
    %get3A_179 = arith.index_cast %add3A_129 : i32 to index
    %get3A_180 = arith.constant 80 : index
    %get3A_181 = tpu.vector_load %arg7[%get3A_179, %get3A_180] {strides = array<i32>} : memref<128x128xf32, #tpu.memory_space<vmem>>, vector<16xf32>,
    %gt3A_182 = arith.cmpf ogt, %get3A_166, %broadcast_in_dim3A_3 : vector<16xf32>
    %select_n3A_183 = arith.select %gt3A_182, %broadcast_in_dim3A_7, %broadcast_in_dim3A_9 : vector<16xi1>, vector<16xf32>
    %sub3A_184 = arith.subf %broadcast_in_dim3A_3, %get3A_166 : vector<16xf32>
    %mul3A_185 = arith.mulf %sub3A_184, %broadcast_in_dim3A_5 : vector<16xf32>
    %exp3A_186 = math.exp %mul3A_185 : vector<16xf32>
    %add3A_187 = arith.addf %broadcast_in_dim3A_7, %exp3A_186 : vector<16xf32>
    %div3A_188 = arith.divf %broadcast_in_dim3A_7, %add3A_187 : vector<16xf32>
    %mul3A_189 = arith.mulf %select_n3A_183, %div3A_188 : vector<16xf32>
    %gt3A_190 = arith.cmpf ogt, %get3A_169, %broadcast_in_dim3A_3 : vector<16xf32>
    %select_n3A_191 = arith.select %gt3A_190, %broadcast_in_dim3A_7, %broadcast_in_dim3A_9 : vector<16xi1>, vector<16xf32>
    %sub3A_192 = arith.subf %broadcast_in_dim3A_3, %get3A_169 : vector<16xf32>
    %mul3A_193 = arith.mulf %sub3A_192, %broadcast_in_dim3A_5 : vector<16xf32>
    %exp3A_194 = math.exp %mul3A_193 : vector<16xf32>
    %add3A_195 = arith.addf %broadcast_in_dim3A_7, %exp3A_194 : vector<16xf32>
    %div3A_196 = arith.divf %broadcast_in_dim3A_7, %add3A_195 : vector<16xf32>
    %mul3A_197 = arith.mulf %select_n3A_191, %div3A_196 : vector<16xf32>
    %mul3A_198 = arith.mulf %mul3A_158, %mul3A_189 : vector<16xf32>
    %reduce_sum3A_199 = arith.constant true
    %reduce_sum3A_200 = vector.broadcast %reduce_sum3A_199 : i1 to vector<16xi1>
    %reduce_sum3A_201 = tpu.scan <sum>, %mul3A_198 masked %reduce_sum3A_200 : vector<16xf32>, vector<16xi1> -> vector<16xf32>
    %reduce_sum3A_202 = vector.extract %reduce_sum3A_201[15] : f32 from vector<16xf32>
    %mul3A_203 = arith.mulf %mul3A_163, %mul3A_197 : vector<16xf32>
    %reduce_sum3A_204 = arith.constant true
    %reduce_sum3A_205 = vector.broadcast %reduce_sum3A_204 : i1 to vector<16xi1>
    %reduce_sum3A_206 = tpu.scan <sum>, %mul3A_203 masked %reduce_sum3A_205 : vector<16xf32>, vector<16xi1> -> vector<16xf32>
    %reduce_sum3A_207 = vector.extract %reduce_sum3A_206[15] : f32 from vector<16xf32>
    %add3A_208 = arith.addf %reduce_sum3A_202, %reduce_sum3A_207 : f32
    %eq3A_209 = arith.cmpf oeq, %get3A_175, %get3A_178 : vector<16xf32>
    %select_n3A_210 = arith.select %eq3A_209, %broadcast_in_dim3A_7, %broadcast_in_dim3A_9 : vector<16xi1>, vector<16xf32>
    %sub3A_211 = arith.subf %get3A_172, %get3A_178 : vector<16xf32>
    %abs3A_212 = math.absf %sub3A_211 : vector<16xf32>
    %mul3A_213 = arith.mulf %select_n3A_210, %abs3A_212 : vector<16xf32>
    %reduce_sum3A_214 = arith.constant true
    %reduce_sum3A_215 = vector.broadcast %reduce_sum3A_214 : i1 to vector<16xi1>
    %reduce_sum3A_216 = tpu.scan <sum>, %mul3A_213 masked %reduce_sum3A_215 : vector<16xf32>, vector<16xi1> -> vector<16xf32>
    %reduce_sum3A_217 = vector.extract %reduce_sum3A_216[15] : f32 from vector<16xf32>
    %sub3A_218 = arith.subf %broadcast_in_dim3A_3, %get3A_172 : vector<16xf32>
    %mul3A_219 = arith.mulf %sub3A_218, %broadcast_in_dim3A_5 : vector<16xf32>
    %exp3A_220 = math.exp %mul3A_219 : vector<16xf32>
    %add3A_221 = arith.addf %broadcast_in_dim3A_7, %exp3A_220 : vector<16xf32>
    %div3A_222 = arith.divf %broadcast_in_dim3A_7, %add3A_221 : vector<16xf32>
    %mul3A_223 = arith.mulf %div3A_222, %get3A_181 : vector<16xf32>
    %reduce_sum3A_224 = arith.constant true
    %reduce_sum3A_225 = vector.broadcast %reduce_sum3A_224 : i1 to vector<16xi1>
    %reduce_sum3A_226 = tpu.scan <sum>, %mul3A_223 masked %reduce_sum3A_225 : vector<16xf32>, vector<16xi1> -> vector<16xf32>
    %reduce_sum3A_227 = vector.extract %reduce_sum3A_226[15] : f32 from vector<16xf32>
    %mul3A_228 = arith.constant 1.000000e+00 : f32
    %mul3A_229 = arith.mulf %add3A_208, %mul3A_228 : f32
    %mul3A_230 = arith.constant 1.000000e+00 : f32
    %mul3A_231 = arith.mulf %reduce_sum3A_217, %mul3A_230 : f32
    %sub3A_232 = arith.subf %mul3A_229, %mul3A_231 : f32
    %mul3A_233 = arith.constant 1.000000e+00 : f32
    %mul3A_234 = arith.mulf %reduce_sum3A_227, %mul3A_233 : f32
    %sub3A_235 = arith.subf %sub3A_232, %mul3A_234 : f32
    %eq3A_236 = arith.constant 1 : i32
    %eq3A_237 = vector.broadcast %eq3A_236 : i32 to vector<16xi32>
    %eq3A_238 = arith.cmpi eq, %iota3A, %eq3A_237 : vector<16xi32>
    %broadcast_in_dim3A_239 = vector.broadcast %sub3A_235 : f32 to vector<16xf32>
    %select_n3A_240 = arith.select %eq3A_238, %broadcast_in_dim3A_239, %select_n3A_127 : vector<16xi1>, vector<16xf32>
    %eq3A_241 = arith.constant 5 : i32
    %eq3A_242 = vector.broadcast %eq3A_241 : i32 to vector<16xi32>
    %eq3A_243 = arith.cmpi eq, %iota3A, %eq3A_242 : vector<16xi32>
    %broadcast_in_dim3A_244 = vector.broadcast %add3A_208 : f32 to vector<16xf32>
    %select_n3A_245 = arith.select %eq3A_243, %broadcast_in_dim3A_244, %select_n3A_240 : vector<16xi1>, vector<16xf32>
    %eq3A_246 = arith.constant 9 : i32
    %eq3A_247 = vector.broadcast %eq3A_246 : i32 to vector<16xi32>
    %eq3A_248 = arith.cmpi eq, %iota3A, %eq3A_247 : vector<16xi32>
    %broadcast_in_dim3A_249 = vector.broadcast %reduce_sum3A_217 : f32 to vector<16xf32>
    %select_n3A_250 = arith.select %eq3A_248, %broadcast_in_dim3A_249, %select_n3A_245 : vector<16xi1>, vector<16xf32>
    %eq3A_251 = arith.constant 13 : i32
    %eq3A_252 = vector.broadcast %eq3A_251 : i32 to vector<16xi32>
    %eq3A_253 = arith.cmpi eq, %iota3A, %eq3A_252 : vector<16xi32>
    %broadcast_in_dim3A_254 = vector.broadcast %reduce_sum3A_227 : f32 to vector<16xf32>
    %select_n3A_255 = arith.select %eq3A_253, %broadcast_in_dim3A_254, %select_n3A_250 : vector<16xi1>, vector<16xf32>
    %add3A_256 = arith.constant 2 : i32
    %add3A_257 = arith.addi %mul3A_2, %add3A_256 : i32
    "tpu.region"() ({
      %run_scoped3A = tpu.sem_alloc : memref<!tpu.dma_semaphore, #tpu.memory_space<semaphore_mem>>
      %dma_start3A = arith.constant 0 : i32
      %dma_start3A_529 = arith.constant 0 : i32
      %dma_start3A_530 = tpu.memref_slice %arg2[%add3A_257, %dma_start3A, %dma_start3A_529] : memref<128x512x512xf32, #tpu.memory_space<hbm>> -> memref<1x256x128xf32, #tpu.memory_space<hbm>>
      %dma_start3A_531 = tpu.memref_squeeze %dma_start3A_530 : memref<1x256x128xf32, #tpu.memory_space<hbm>> -> memref<256x128xf32, #tpu.memory_space<hbm>>
      %dma_start3A_532 = arith.constant 0 : i32
      %dma_start3A_533 = arith.constant 0 : i32
      %dma_start3A_534 = tpu.memref_slice %arg2[%add3A_257, %dma_start3A_532, %dma_start3A_533] : memref<128x512x512xf32, #tpu.memory_space<hbm>> -> memref<1x256x128xf32, #tpu.memory_space<hbm>>
      %dma_start3A_535 = tpu.memref_squeeze %dma_start3A_534 : memref<1x256x128xf32, #tpu.memory_space<hbm>> -> memref<256x128xf32, #tpu.memory_space<hbm>>
      tpu.enqueue_dma source(%dma_start3A_535 : memref<256x128xf32, #tpu.memory_space<hbm>>) target(%arg6 : memref<256x128xf32, #tpu.memory_space<vmem>>) target_semaphore(%run_scoped3A : memref<!tpu.dma_semaphore, #tpu.memory_space<semaphore_mem>>)
      %dma_wait3A = arith.constant 0 : i32
      %dma_wait3A_536 = arith.constant 0 : i32
      %dma_wait3A_537 = tpu.memref_slice %arg2[%add3A_257, %dma_wait3A, %dma_wait3A_536] : memref<128x512x512xf32, #tpu.memory_space<hbm>> -> memref<1x256x128xf32, #tpu.memory_space<hbm>>
      %dma_wait3A_538 = tpu.memref_squeeze %dma_wait3A_537 : memref<1x256x128xf32, #tpu.memory_space<hbm>> -> memref<256x128xf32, #tpu.memory_space<hbm>>
      %dma_wait3A_539 = arith.constant 0 : i32
      %dma_wait3A_540 = arith.constant 0 : i32
      %dma_wait3A_541 = tpu.memref_slice %arg2[%add3A_257, %dma_wait3A_539, %dma_wait3A_540] : memref<128x512x512xf32, #tpu.memory_space<hbm>> -> memref<1x256x128xf32, #tpu.memory_space<hbm>>
      %dma_wait3A_542 = tpu.memref_squeeze %dma_wait3A_541 : memref<1x256x128xf32, #tpu.memory_space<hbm>> -> memref<256x128xf32, #tpu.memory_space<hbm>>
      tpu.wait_dma2 semaphore(%run_scoped3A : memref<!tpu.dma_semaphore, #tpu.memory_space<semaphore_mem>>) src(%dma_wait3A_542 : memref<256x128xf32, #tpu.memory_space<hbm>>) dst(%arg6 : memref<256x128xf32, #tpu.memory_space<vmem>>)
      tpu.yield
    }) : () -> ()
    %scan3A_258 = arith.constant 0 : i32
    %scan3A_259 = arith.constant 256 : i32
    %scan3A_260 = arith.addi %scan3A_258, %scan3A_259 : i32
    %scan3A_261 = arith.constant 1 : i32
    %scan3A_262:2 = scf.for %scan3A_529 = %scan3A_258 to %scan3A_260 step %scan3A_261 iter_args(%scan3A_530 = %broadcast_in_dim3A_9, %scan3A_531 = %broadcast_in_dim3A_9) -> (vector<16xf32>, vector<16xf32>)  : i32 {
      %get3A_532 = arith.index_cast %scan3A_529 : i32 to index
      %get3A_533 = arith.constant 0 : index
      %get3A_534 = tpu.vector_load %arg6[%get3A_532, %get3A_533] {strides = array<i32>} : memref<256x128xf32, #tpu.memory_space<vmem>>, vector<16xf32>,
      %add3A_535 = arith.addf %scan3A_530, %get3A_534 : vector<16xf32>
      %get3A_536 = arith.index_cast %scan3A_529 : i32 to index
      %get3A_537 = arith.constant 16 : index
      %get3A_538 = tpu.vector_load %arg6[%get3A_536, %get3A_537] {strides = array<i32>} : memref<256x128xf32, #tpu.memory_space<vmem>>, vector<16xf32>,
      %add3A_539 = arith.addf %scan3A_531, %get3A_538 : vector<16xf32>
      scf.yield %add3A_535, %add3A_539 : vector<16xf32>, vector<16xf32>
    }
    %scan3A_263 = arith.constant 256 : i32
    "tpu.region"() ({
      %run_scoped3A = tpu.sem_alloc : memref<!tpu.dma_semaphore, #tpu.memory_space<semaphore_mem>>
      %dma_start3A = arith.constant 256 : i32
      %dma_start3A_529 = arith.constant 0 : i32
      %dma_start3A_530 = tpu.memref_slice %arg2[%add3A_257, %dma_start3A, %dma_start3A_529] : memref<128x512x512xf32, #tpu.memory_space<hbm>> -> memref<1x256x128xf32, #tpu.memory_space<hbm>>
      %dma_start3A_531 = tpu.memref_squeeze %dma_start3A_530 : memref<1x256x128xf32, #tpu.memory_space<hbm>> -> memref<256x128xf32, #tpu.memory_space<hbm>>
      %dma_start3A_532 = arith.constant 256 : i32
      %dma_start3A_533 = arith.constant 0 : i32
      %dma_start3A_534 = tpu.memref_slice %arg2[%add3A_257, %dma_start3A_532, %dma_start3A_533] : memref<128x512x512xf32, #tpu.memory_space<hbm>> -> memref<1x256x128xf32, #tpu.memory_space<hbm>>
      %dma_start3A_535 = tpu.memref_squeeze %dma_start3A_534 : memref<1x256x128xf32, #tpu.memory_space<hbm>> -> memref<256x128xf32, #tpu.memory_space<hbm>>
      tpu.enqueue_dma source(%dma_start3A_535 : memref<256x128xf32, #tpu.memory_space<hbm>>) target(%arg6 : memref<256x128xf32, #tpu.memory_space<vmem>>) target_semaphore(%run_scoped3A : memref<!tpu.dma_semaphore, #tpu.memory_space<semaphore_mem>>)
      %dma_wait3A = arith.constant 256 : i32
      %dma_wait3A_536 = arith.constant 0 : i32
      %dma_wait3A_537 = tpu.memref_slice %arg2[%add3A_257, %dma_wait3A, %dma_wait3A_536] : memref<128x512x512xf32, #tpu.memory_space<hbm>> -> memref<1x256x128xf32, #tpu.memory_space<hbm>>
      %dma_wait3A_538 = tpu.memref_squeeze %dma_wait3A_537 : memref<1x256x128xf32, #tpu.memory_space<hbm>> -> memref<256x128xf32, #tpu.memory_space<hbm>>
      %dma_wait3A_539 = arith.constant 256 : i32
      %dma_wait3A_540 = arith.constant 0 : i32
      %dma_wait3A_541 = tpu.memref_slice %arg2[%add3A_257, %dma_wait3A_539, %dma_wait3A_540] : memref<128x512x512xf32, #tpu.memory_space<hbm>> -> memref<1x256x128xf32, #tpu.memory_space<hbm>>
      %dma_wait3A_542 = tpu.memref_squeeze %dma_wait3A_541 : memref<1x256x128xf32, #tpu.memory_space<hbm>> -> memref<256x128xf32, #tpu.memory_space<hbm>>
      tpu.wait_dma2 semaphore(%run_scoped3A : memref<!tpu.dma_semaphore, #tpu.memory_space<semaphore_mem>>) src(%dma_wait3A_542 : memref<256x128xf32, #tpu.memory_space<hbm>>) dst(%arg6 : memref<256x128xf32, #tpu.memory_space<vmem>>)
      tpu.yield
    }) : () -> ()
    %scan3A_264 = arith.constant 0 : i32
    %scan3A_265 = arith.constant 256 : i32
    %scan3A_266 = arith.addi %scan3A_264, %scan3A_265 : i32
    %scan3A_267 = arith.constant 1 : i32
    %scan3A_268:2 = scf.for %scan3A_529 = %scan3A_264 to %scan3A_266 step %scan3A_267 iter_args(%scan3A_530 = %scan3A_262#0, %scan3A_531 = %scan3A_262#1) -> (vector<16xf32>, vector<16xf32>)  : i32 {
      %get3A_532 = arith.index_cast %scan3A_529 : i32 to index
      %get3A_533 = arith.constant 0 : index
      %get3A_534 = tpu.vector_load %arg6[%get3A_532, %get3A_533] {strides = array<i32>} : memref<256x128xf32, #tpu.memory_space<vmem>>, vector<16xf32>,
      %add3A_535 = arith.addf %scan3A_530, %get3A_534 : vector<16xf32>
      %get3A_536 = arith.index_cast %scan3A_529 : i32 to index
      %get3A_537 = arith.constant 16 : index
      %get3A_538 = tpu.vector_load %arg6[%get3A_536, %get3A_537] {strides = array<i32>} : memref<256x128xf32, #tpu.memory_space<vmem>>, vector<16xf32>,
      %add3A_539 = arith.addf %scan3A_531, %get3A_538 : vector<16xf32>
      scf.yield %add3A_535, %add3A_539 : vector<16xf32>, vector<16xf32>
    }
    %scan3A_269 = arith.constant 256 : i32
    "tpu.region"() ({
      %run_scoped3A = tpu.sem_alloc : memref<!tpu.dma_semaphore, #tpu.memory_space<semaphore_mem>>
      %dma_start3A = arith.constant 0 : i32
      %dma_start3A_529 = arith.constant 0 : i32
      %dma_start3A_530 = tpu.memref_slice %arg3[%add3A_257, %dma_start3A, %dma_start3A_529] : memref<128x512x512xf32, #tpu.memory_space<hbm>> -> memref<1x256x128xf32, #tpu.memory_space<hbm>>
      %dma_start3A_531 = tpu.memref_squeeze %dma_start3A_530 : memref<1x256x128xf32, #tpu.memory_space<hbm>> -> memref<256x128xf32, #tpu.memory_space<hbm>>
      %dma_start3A_532 = arith.constant 0 : i32
      %dma_start3A_533 = arith.constant 0 : i32
      %dma_start3A_534 = tpu.memref_slice %arg3[%add3A_257, %dma_start3A_532, %dma_start3A_533] : memref<128x512x512xf32, #tpu.memory_space<hbm>> -> memref<1x256x128xf32, #tpu.memory_space<hbm>>
      %dma_start3A_535 = tpu.memref_squeeze %dma_start3A_534 : memref<1x256x128xf32, #tpu.memory_space<hbm>> -> memref<256x128xf32, #tpu.memory_space<hbm>>
      tpu.enqueue_dma source(%dma_start3A_535 : memref<256x128xf32, #tpu.memory_space<hbm>>) target(%arg6 : memref<256x128xf32, #tpu.memory_space<vmem>>) target_semaphore(%run_scoped3A : memref<!tpu.dma_semaphore, #tpu.memory_space<semaphore_mem>>)
      %dma_wait3A = arith.constant 0 : i32
      %dma_wait3A_536 = arith.constant 0 : i32
      %dma_wait3A_537 = tpu.memref_slice %arg3[%add3A_257, %dma_wait3A, %dma_wait3A_536] : memref<128x512x512xf32, #tpu.memory_space<hbm>> -> memref<1x256x128xf32, #tpu.memory_space<hbm>>
      %dma_wait3A_538 = tpu.memref_squeeze %dma_wait3A_537 : memref<1x256x128xf32, #tpu.memory_space<hbm>> -> memref<256x128xf32, #tpu.memory_space<hbm>>
      %dma_wait3A_539 = arith.constant 0 : i32
      %dma_wait3A_540 = arith.constant 0 : i32
      %dma_wait3A_541 = tpu.memref_slice %arg3[%add3A_257, %dma_wait3A_539, %dma_wait3A_540] : memref<128x512x512xf32, #tpu.memory_space<hbm>> -> memref<1x256x128xf32, #tpu.memory_space<hbm>>
      %dma_wait3A_542 = tpu.memref_squeeze %dma_wait3A_541 : memref<1x256x128xf32, #tpu.memory_space<hbm>> -> memref<256x128xf32, #tpu.memory_space<hbm>>
      tpu.wait_dma2 semaphore(%run_scoped3A : memref<!tpu.dma_semaphore, #tpu.memory_space<semaphore_mem>>) src(%dma_wait3A_542 : memref<256x128xf32, #tpu.memory_space<hbm>>) dst(%arg6 : memref<256x128xf32, #tpu.memory_space<vmem>>)
      tpu.yield
    }) : () -> ()
    %scan3A_270 = arith.constant 0 : i32
    %scan3A_271 = arith.constant 256 : i32
    %scan3A_272 = arith.addi %scan3A_270, %scan3A_271 : i32
    %scan3A_273 = arith.constant 1 : i32
    %scan3A_274:2 = scf.for %scan3A_529 = %scan3A_270 to %scan3A_272 step %scan3A_273 iter_args(%scan3A_530 = %broadcast_in_dim3A_9, %scan3A_531 = %broadcast_in_dim3A_9) -> (vector<16xf32>, vector<16xf32>)  : i32 {
      %get3A_532 = arith.index_cast %scan3A_529 : i32 to index
      %get3A_533 = arith.constant 0 : index
      %get3A_534 = tpu.vector_load %arg6[%get3A_532, %get3A_533] {strides = array<i32>} : memref<256x128xf32, #tpu.memory_space<vmem>>, vector<16xf32>,
      %add3A_535 = arith.addf %scan3A_530, %get3A_534 : vector<16xf32>
      %get3A_536 = arith.index_cast %scan3A_529 : i32 to index
      %get3A_537 = arith.constant 16 : index
      %get3A_538 = tpu.vector_load %arg6[%get3A_536, %get3A_537] {strides = array<i32>} : memref<256x128xf32, #tpu.memory_space<vmem>>, vector<16xf32>,
      %add3A_539 = arith.addf %scan3A_531, %get3A_538 : vector<16xf32>
      scf.yield %add3A_535, %add3A_539 : vector<16xf32>, vector<16xf32>
    }
    %scan3A_275 = arith.constant 256 : i32
    "tpu.region"() ({
      %run_scoped3A = tpu.sem_alloc : memref<!tpu.dma_semaphore, #tpu.memory_space<semaphore_mem>>
      %dma_start3A = arith.constant 256 : i32
      %dma_start3A_529 = arith.constant 0 : i32
      %dma_start3A_530 = tpu.memref_slice %arg3[%add3A_257, %dma_start3A, %dma_start3A_529] : memref<128x512x512xf32, #tpu.memory_space<hbm>> -> memref<1x256x128xf32, #tpu.memory_space<hbm>>
      %dma_start3A_531 = tpu.memref_squeeze %dma_start3A_530 : memref<1x256x128xf32, #tpu.memory_space<hbm>> -> memref<256x128xf32, #tpu.memory_space<hbm>>
      %dma_start3A_532 = arith.constant 256 : i32
      %dma_start3A_533 = arith.constant 0 : i32
      %dma_start3A_534 = tpu.memref_slice %arg3[%add3A_257, %dma_start3A_532, %dma_start3A_533] : memref<128x512x512xf32, #tpu.memory_space<hbm>> -> memref<1x256x128xf32, #tpu.memory_space<hbm>>
      %dma_start3A_535 = tpu.memref_squeeze %dma_start3A_534 : memref<1x256x128xf32, #tpu.memory_space<hbm>> -> memref<256x128xf32, #tpu.memory_space<hbm>>
      tpu.enqueue_dma source(%dma_start3A_535 : memref<256x128xf32, #tpu.memory_space<hbm>>) target(%arg6 : memref<256x128xf32, #tpu.memory_space<vmem>>) target_semaphore(%run_scoped3A : memref<!tpu.dma_semaphore, #tpu.memory_space<semaphore_mem>>)
      %dma_wait3A = arith.constant 256 : i32
      %dma_wait3A_536 = arith.constant 0 : i32
      %dma_wait3A_537 = tpu.memref_slice %arg3[%add3A_257, %dma_wait3A, %dma_wait3A_536] : memref<128x512x512xf32, #tpu.memory_space<hbm>> -> memref<1x256x128xf32, #tpu.memory_space<hbm>>
      %dma_wait3A_538 = tpu.memref_squeeze %dma_wait3A_537 : memref<1x256x128xf32, #tpu.memory_space<hbm>> -> memref<256x128xf32, #tpu.memory_space<hbm>>
      %dma_wait3A_539 = arith.constant 256 : i32
      %dma_wait3A_540 = arith.constant 0 : i32
      %dma_wait3A_541 = tpu.memref_slice %arg3[%add3A_257, %dma_wait3A_539, %dma_wait3A_540] : memref<128x512x512xf32, #tpu.memory_space<hbm>> -> memref<1x256x128xf32, #tpu.memory_space<hbm>>
      %dma_wait3A_542 = tpu.memref_squeeze %dma_wait3A_541 : memref<1x256x128xf32, #tpu.memory_space<hbm>> -> memref<256x128xf32, #tpu.memory_space<hbm>>
      tpu.wait_dma2 semaphore(%run_scoped3A : memref<!tpu.dma_semaphore, #tpu.memory_space<semaphore_mem>>) src(%dma_wait3A_542 : memref<256x128xf32, #tpu.memory_space<hbm>>) dst(%arg6 : memref<256x128xf32, #tpu.memory_space<vmem>>)
      tpu.yield
    }) : () -> ()
    %scan3A_276 = arith.constant 0 : i32
    %scan3A_277 = arith.constant 256 : i32
    %scan3A_278 = arith.addi %scan3A_276, %scan3A_277 : i32
    %scan3A_279 = arith.constant 1 : i32
    %scan3A_280:2 = scf.for %scan3A_529 = %scan3A_276 to %scan3A_278 step %scan3A_279 iter_args(%scan3A_530 = %scan3A_274#0, %scan3A_531 = %scan3A_274#1) -> (vector<16xf32>, vector<16xf32>)  : i32 {
      %get3A_532 = arith.index_cast %scan3A_529 : i32 to index
      %get3A_533 = arith.constant 0 : index
      %get3A_534 = tpu.vector_load %arg6[%get3A_532, %get3A_533] {strides = array<i32>} : memref<256x128xf32, #tpu.memory_space<vmem>>, vector<16xf32>,
      %add3A_535 = arith.addf %scan3A_530, %get3A_534 : vector<16xf32>
      %get3A_536 = arith.index_cast %scan3A_529 : i32 to index
      %get3A_537 = arith.constant 16 : index
      %get3A_538 = tpu.vector_load %arg6[%get3A_536, %get3A_537] {strides = array<i32>} : memref<256x128xf32, #tpu.memory_space<vmem>>, vector<16xf32>,
      %add3A_539 = arith.addf %scan3A_531, %get3A_538 : vector<16xf32>
      scf.yield %add3A_535, %add3A_539 : vector<16xf32>, vector<16xf32>
    }
    %scan3A_281 = arith.constant 256 : i32
    %sub3A_282 = arith.subf %scan3A_268#0, %scan3A_280#0 : vector<16xf32>
    %abs3A_283 = math.absf %sub3A_282 : vector<16xf32>
    %mul3A_284 = arith.constant 0.001953125 : f32
    %mul3A_285 = vector.broadcast %mul3A_284 : f32 to vector<16xf32>
    %mul3A_286 = arith.mulf %abs3A_283, %mul3A_285 : vector<16xf32>
    %sub3A_287 = arith.subf %scan3A_268#1, %scan3A_280#1 : vector<16xf32>
    %abs3A_288 = math.absf %sub3A_287 : vector<16xf32>
    %mul3A_289 = arith.constant 0.001953125 : f32
    %mul3A_290 = vector.broadcast %mul3A_289 : f32 to vector<16xf32>
    %mul3A_291 = arith.mulf %abs3A_288, %mul3A_290 : vector<16xf32>
    %get3A_292 = arith.index_cast %add3A_257 : i32 to index
    %get3A_293 = arith.constant 0 : index
    %get3A_294 = tpu.vector_load %arg7[%get3A_292, %get3A_293] {strides = array<i32>} : memref<128x128xf32, #tpu.memory_space<vmem>>, vector<16xf32>,
    %get3A_295 = arith.index_cast %add3A_257 : i32 to index
    %get3A_296 = arith.constant 16 : index
    %get3A_297 = tpu.vector_load %arg7[%get3A_295, %get3A_296] {strides = array<i32>} : memref<128x128xf32, #tpu.memory_space<vmem>>, vector<16xf32>,
    %get3A_298 = arith.index_cast %add3A_257 : i32 to index
    %get3A_299 = arith.constant 32 : index
    %get3A_300 = tpu.vector_load %arg7[%get3A_298, %get3A_299] {strides = array<i32>} : memref<128x128xf32, #tpu.memory_space<vmem>>, vector<16xf32>,
    %get3A_301 = arith.index_cast %add3A_257 : i32 to index
    %get3A_302 = arith.constant 48 : index
    %get3A_303 = tpu.vector_load %arg7[%get3A_301, %get3A_302] {strides = array<i32>} : memref<128x128xf32, #tpu.memory_space<vmem>>, vector<16xf32>,
    %get3A_304 = arith.index_cast %add3A_257 : i32 to index
    %get3A_305 = arith.constant 64 : index
    %get3A_306 = tpu.vector_load %arg7[%get3A_304, %get3A_305] {strides = array<i32>} : memref<128x128xf32, #tpu.memory_space<vmem>>, vector<16xf32>,
    %get3A_307 = arith.index_cast %add3A_257 : i32 to index
    %get3A_308 = arith.constant 80 : index
    %get3A_309 = tpu.vector_load %arg7[%get3A_307, %get3A_308] {strides = array<i32>} : memref<128x128xf32, #tpu.memory_space<vmem>>, vector<16xf32>,
    %gt3A_310 = arith.cmpf ogt, %get3A_294, %broadcast_in_dim3A_3 : vector<16xf32>
    %select_n3A_311 = arith.select %gt3A_310, %broadcast_in_dim3A_7, %broadcast_in_dim3A_9 : vector<16xi1>, vector<16xf32>
    %sub3A_312 = arith.subf %broadcast_in_dim3A_3, %get3A_294 : vector<16xf32>
    %mul3A_313 = arith.mulf %sub3A_312, %broadcast_in_dim3A_5 : vector<16xf32>
    %exp3A_314 = math.exp %mul3A_313 : vector<16xf32>
    %add3A_315 = arith.addf %broadcast_in_dim3A_7, %exp3A_314 : vector<16xf32>
    %div3A_316 = arith.divf %broadcast_in_dim3A_7, %add3A_315 : vector<16xf32>
    %mul3A_317 = arith.mulf %select_n3A_311, %div3A_316 : vector<16xf32>
    %gt3A_318 = arith.cmpf ogt, %get3A_297, %broadcast_in_dim3A_3 : vector<16xf32>
    %select_n3A_319 = arith.select %gt3A_318, %broadcast_in_dim3A_7, %broadcast_in_dim3A_9 : vector<16xi1>, vector<16xf32>
    %sub3A_320 = arith.subf %broadcast_in_dim3A_3, %get3A_297 : vector<16xf32>
    %mul3A_321 = arith.mulf %sub3A_320, %broadcast_in_dim3A_5 : vector<16xf32>
    %exp3A_322 = math.exp %mul3A_321 : vector<16xf32>
    %add3A_323 = arith.addf %broadcast_in_dim3A_7, %exp3A_322 : vector<16xf32>
    %div3A_324 = arith.divf %broadcast_in_dim3A_7, %add3A_323 : vector<16xf32>
    %mul3A_325 = arith.mulf %select_n3A_319, %div3A_324 : vector<16xf32>
    %mul3A_326 = arith.mulf %mul3A_286, %mul3A_317 : vector<16xf32>
    %reduce_sum3A_327 = arith.constant true
    %reduce_sum3A_328 = vector.broadcast %reduce_sum3A_327 : i1 to vector<16xi1>
    %reduce_sum3A_329 = tpu.scan <sum>, %mul3A_326 masked %reduce_sum3A_328 : vector<16xf32>, vector<16xi1> -> vector<16xf32>
    %reduce_sum3A_330 = vector.extract %reduce_sum3A_329[15] : f32 from vector<16xf32>
    %mul3A_331 = arith.mulf %mul3A_291, %mul3A_325 : vector<16xf32>
    %reduce_sum3A_332 = arith.constant true
    %reduce_sum3A_333 = vector.broadcast %reduce_sum3A_332 : i1 to vector<16xi1>
    %reduce_sum3A_334 = tpu.scan <sum>, %mul3A_331 masked %reduce_sum3A_333 : vector<16xf32>, vector<16xi1> -> vector<16xf32>
    %reduce_sum3A_335 = vector.extract %reduce_sum3A_334[15] : f32 from vector<16xf32>
    %add3A_336 = arith.addf %reduce_sum3A_330, %reduce_sum3A_335 : f32
    %eq3A_337 = arith.cmpf oeq, %get3A_303, %get3A_306 : vector<16xf32>
    %select_n3A_338 = arith.select %eq3A_337, %broadcast_in_dim3A_7, %broadcast_in_dim3A_9 : vector<16xi1>, vector<16xf32>
    %sub3A_339 = arith.subf %get3A_300, %get3A_306 : vector<16xf32>
    %abs3A_340 = math.absf %sub3A_339 : vector<16xf32>
    %mul3A_341 = arith.mulf %select_n3A_338, %abs3A_340 : vector<16xf32>
    %reduce_sum3A_342 = arith.constant true
    %reduce_sum3A_343 = vector.broadcast %reduce_sum3A_342 : i1 to vector<16xi1>
    %reduce_sum3A_344 = tpu.scan <sum>, %mul3A_341 masked %reduce_sum3A_343 : vector<16xf32>, vector<16xi1> -> vector<16xf32>
    %reduce_sum3A_345 = vector.extract %reduce_sum3A_344[15] : f32 from vector<16xf32>
    %sub3A_346 = arith.subf %broadcast_in_dim3A_3, %get3A_300 : vector<16xf32>
    %mul3A_347 = arith.mulf %sub3A_346, %broadcast_in_dim3A_5 : vector<16xf32>
    %exp3A_348 = math.exp %mul3A_347 : vector<16xf32>
    %add3A_349 = arith.addf %broadcast_in_dim3A_7, %exp3A_348 : vector<16xf32>
    %div3A_350 = arith.divf %broadcast_in_dim3A_7, %add3A_349 : vector<16xf32>
    %mul3A_351 = arith.mulf %div3A_350, %get3A_309 : vector<16xf32>
    %reduce_sum3A_352 = arith.constant true
    %reduce_sum3A_353 = vector.broadcast %reduce_sum3A_352 : i1 to vector<16xi1>
    %reduce_sum3A_354 = tpu.scan <sum>, %mul3A_351 masked %reduce_sum3A_353 : vector<16xf32>, vector<16xi1> -> vector<16xf32>
    %reduce_sum3A_355 = vector.extract %reduce_sum3A_354[15] : f32 from vector<16xf32>
    %mul3A_356 = arith.constant 1.000000e+00 : f32
    %mul3A_357 = arith.mulf %add3A_336, %mul3A_356 : f32
    %mul3A_358 = arith.constant 1.000000e+00 : f32
    %mul3A_359 = arith.mulf %reduce_sum3A_345, %mul3A_358 : f32
    %sub3A_360 = arith.subf %mul3A_357, %mul3A_359 : f32
    %mul3A_361 = arith.constant 1.000000e+00 : f32
    %mul3A_362 = arith.mulf %reduce_sum3A_355, %mul3A_361 : f32
    %sub3A_363 = arith.subf %sub3A_360, %mul3A_362 : f32
    %eq3A_364 = arith.constant 2 : i32
    %eq3A_365 = vector.broadcast %eq3A_364 : i32 to vector<16xi32>
    %eq3A_366 = arith.cmpi eq, %iota3A, %eq3A_365 : vector<16xi32>
    %broadcast_in_dim3A_367 = vector.broadcast %sub3A_363 : f32 to vector<16xf32>
    %select_n3A_368 = arith.select %eq3A_366, %broadcast_in_dim3A_367, %select_n3A_255 : vector<16xi1>, vector<16xf32>
    %eq3A_369 = arith.constant 6 : i32
    %eq3A_370 = vector.broadcast %eq3A_369 : i32 to vector<16xi32>
    %eq3A_371 = arith.cmpi eq, %iota3A, %eq3A_370 : vector<16xi32>
    %broadcast_in_dim3A_372 = vector.broadcast %add3A_336 : f32 to vector<16xf32>
    %select_n3A_373 = arith.select %eq3A_371, %broadcast_in_dim3A_372, %select_n3A_368 : vector<16xi1>, vector<16xf32>
    %eq3A_374 = arith.constant 10 : i32
    %eq3A_375 = vector.broadcast %eq3A_374 : i32 to vector<16xi32>
    %eq3A_376 = arith.cmpi eq, %iota3A, %eq3A_375 : vector<16xi32>
    %broadcast_in_dim3A_377 = vector.broadcast %reduce_sum3A_345 : f32 to vector<16xf32>
    %select_n3A_378 = arith.select %eq3A_376, %broadcast_in_dim3A_377, %select_n3A_373 : vector<16xi1>, vector<16xf32>
    %eq3A_379 = arith.constant 14 : i32
    %eq3A_380 = vector.broadcast %eq3A_379 : i32 to vector<16xi32>
    %eq3A_381 = arith.cmpi eq, %iota3A, %eq3A_380 : vector<16xi32>
    %broadcast_in_dim3A_382 = vector.broadcast %reduce_sum3A_355 : f32 to vector<16xf32>
    %select_n3A_383 = arith.select %eq3A_381, %broadcast_in_dim3A_382, %select_n3A_378 : vector<16xi1>, vector<16xf32>
    %add3A_384 = arith.constant 3 : i32
    %add3A_385 = arith.addi %mul3A_2, %add3A_384 : i32
    "tpu.region"() ({
      %run_scoped3A = tpu.sem_alloc : memref<!tpu.dma_semaphore, #tpu.memory_space<semaphore_mem>>
      %dma_start3A = arith.constant 0 : i32
      %dma_start3A_529 = arith.constant 0 : i32
      %dma_start3A_530 = tpu.memref_slice %arg2[%add3A_385, %dma_start3A, %dma_start3A_529] : memref<128x512x512xf32, #tpu.memory_space<hbm>> -> memref<1x256x128xf32, #tpu.memory_space<hbm>>
      %dma_start3A_531 = tpu.memref_squeeze %dma_start3A_530 : memref<1x256x128xf32, #tpu.memory_space<hbm>> -> memref<256x128xf32, #tpu.memory_space<hbm>>
      %dma_start3A_532 = arith.constant 0 : i32
      %dma_start3A_533 = arith.constant 0 : i32
      %dma_start3A_534 = tpu.memref_slice %arg2[%add3A_385, %dma_start3A_532, %dma_start3A_533] : memref<128x512x512xf32, #tpu.memory_space<hbm>> -> memref<1x256x128xf32, #tpu.memory_space<hbm>>
      %dma_start3A_535 = tpu.memref_squeeze %dma_start3A_534 : memref<1x256x128xf32, #tpu.memory_space<hbm>> -> memref<256x128xf32, #tpu.memory_space<hbm>>
      tpu.enqueue_dma source(%dma_start3A_535 : memref<256x128xf32, #tpu.memory_space<hbm>>) target(%arg6 : memref<256x128xf32, #tpu.memory_space<vmem>>) target_semaphore(%run_scoped3A : memref<!tpu.dma_semaphore, #tpu.memory_space<semaphore_mem>>)
      %dma_wait3A = arith.constant 0 : i32
      %dma_wait3A_536 = arith.constant 0 : i32
      %dma_wait3A_537 = tpu.memref_slice %arg2[%add3A_385, %dma_wait3A, %dma_wait3A_536] : memref<128x512x512xf32, #tpu.memory_space<hbm>> -> memref<1x256x128xf32, #tpu.memory_space<hbm>>
      %dma_wait3A_538 = tpu.memref_squeeze %dma_wait3A_537 : memref<1x256x128xf32, #tpu.memory_space<hbm>> -> memref<256x128xf32, #tpu.memory_space<hbm>>
      %dma_wait3A_539 = arith.constant 0 : i32
      %dma_wait3A_540 = arith.constant 0 : i32
      %dma_wait3A_541 = tpu.memref_slice %arg2[%add3A_385, %dma_wait3A_539, %dma_wait3A_540] : memref<128x512x512xf32, #tpu.memory_space<hbm>> -> memref<1x256x128xf32, #tpu.memory_space<hbm>>
      %dma_wait3A_542 = tpu.memref_squeeze %dma_wait3A_541 : memref<1x256x128xf32, #tpu.memory_space<hbm>> -> memref<256x128xf32, #tpu.memory_space<hbm>>
      tpu.wait_dma2 semaphore(%run_scoped3A : memref<!tpu.dma_semaphore, #tpu.memory_space<semaphore_mem>>) src(%dma_wait3A_542 : memref<256x128xf32, #tpu.memory_space<hbm>>) dst(%arg6 : memref<256x128xf32, #tpu.memory_space<vmem>>)
      tpu.yield
    }) : () -> ()
    %scan3A_386 = arith.constant 0 : i32
    %scan3A_387 = arith.constant 256 : i32
    %scan3A_388 = arith.addi %scan3A_386, %scan3A_387 : i32
    %scan3A_389 = arith.constant 1 : i32
    %scan3A_390:2 = scf.for %scan3A_529 = %scan3A_386 to %scan3A_388 step %scan3A_389 iter_args(%scan3A_530 = %broadcast_in_dim3A_9, %scan3A_531 = %broadcast_in_dim3A_9) -> (vector<16xf32>, vector<16xf32>)  : i32 {
      %get3A_532 = arith.index_cast %scan3A_529 : i32 to index
      %get3A_533 = arith.constant 0 : index
      %get3A_534 = tpu.vector_load %arg6[%get3A_532, %get3A_533] {strides = array<i32>} : memref<256x128xf32, #tpu.memory_space<vmem>>, vector<16xf32>,
      %add3A_535 = arith.addf %scan3A_530, %get3A_534 : vector<16xf32>
      %get3A_536 = arith.index_cast %scan3A_529 : i32 to index
      %get3A_537 = arith.constant 16 : index
      %get3A_538 = tpu.vector_load %arg6[%get3A_536, %get3A_537] {strides = array<i32>} : memref<256x128xf32, #tpu.memory_space<vmem>>, vector<16xf32>,
      %add3A_539 = arith.addf %scan3A_531, %get3A_538 : vector<16xf32>
      scf.yield %add3A_535, %add3A_539 : vector<16xf32>, vector<16xf32>
    }
    %scan3A_391 = arith.constant 256 : i32
    "tpu.region"() ({
      %run_scoped3A = tpu.sem_alloc : memref<!tpu.dma_semaphore, #tpu.memory_space<semaphore_mem>>
      %dma_start3A = arith.constant 256 : i32
      %dma_start3A_529 = arith.constant 0 : i32
      %dma_start3A_530 = tpu.memref_slice %arg2[%add3A_385, %dma_start3A, %dma_start3A_529] : memref<128x512x512xf32, #tpu.memory_space<hbm>> -> memref<1x256x128xf32, #tpu.memory_space<hbm>>
      %dma_start3A_531 = tpu.memref_squeeze %dma_start3A_530 : memref<1x256x128xf32, #tpu.memory_space<hbm>> -> memref<256x128xf32, #tpu.memory_space<hbm>>
      %dma_start3A_532 = arith.constant 256 : i32
      %dma_start3A_533 = arith.constant 0 : i32
      %dma_start3A_534 = tpu.memref_slice %arg2[%add3A_385, %dma_start3A_532, %dma_start3A_533] : memref<128x512x512xf32, #tpu.memory_space<hbm>> -> memref<1x256x128xf32, #tpu.memory_space<hbm>>
      %dma_start3A_535 = tpu.memref_squeeze %dma_start3A_534 : memref<1x256x128xf32, #tpu.memory_space<hbm>> -> memref<256x128xf32, #tpu.memory_space<hbm>>
      tpu.enqueue_dma source(%dma_start3A_535 : memref<256x128xf32, #tpu.memory_space<hbm>>) target(%arg6 : memref<256x128xf32, #tpu.memory_space<vmem>>) target_semaphore(%run_scoped3A : memref<!tpu.dma_semaphore, #tpu.memory_space<semaphore_mem>>)
      %dma_wait3A = arith.constant 256 : i32
      %dma_wait3A_536 = arith.constant 0 : i32
      %dma_wait3A_537 = tpu.memref_slice %arg2[%add3A_385, %dma_wait3A, %dma_wait3A_536] : memref<128x512x512xf32, #tpu.memory_space<hbm>> -> memref<1x256x128xf32, #tpu.memory_space<hbm>>
      %dma_wait3A_538 = tpu.memref_squeeze %dma_wait3A_537 : memref<1x256x128xf32, #tpu.memory_space<hbm>> -> memref<256x128xf32, #tpu.memory_space<hbm>>
      %dma_wait3A_539 = arith.constant 256 : i32
      %dma_wait3A_540 = arith.constant 0 : i32
      %dma_wait3A_541 = tpu.memref_slice %arg2[%add3A_385, %dma_wait3A_539, %dma_wait3A_540] : memref<128x512x512xf32, #tpu.memory_space<hbm>> -> memref<1x256x128xf32, #tpu.memory_space<hbm>>
      %dma_wait3A_542 = tpu.memref_squeeze %dma_wait3A_541 : memref<1x256x128xf32, #tpu.memory_space<hbm>> -> memref<256x128xf32, #tpu.memory_space<hbm>>
      tpu.wait_dma2 semaphore(%run_scoped3A : memref<!tpu.dma_semaphore, #tpu.memory_space<semaphore_mem>>) src(%dma_wait3A_542 : memref<256x128xf32, #tpu.memory_space<hbm>>) dst(%arg6 : memref<256x128xf32, #tpu.memory_space<vmem>>)
      tpu.yield
    }) : () -> ()
    %scan3A_392 = arith.constant 0 : i32
    %scan3A_393 = arith.constant 256 : i32
    %scan3A_394 = arith.addi %scan3A_392, %scan3A_393 : i32
    %scan3A_395 = arith.constant 1 : i32
    %scan3A_396:2 = scf.for %scan3A_529 = %scan3A_392 to %scan3A_394 step %scan3A_395 iter_args(%scan3A_530 = %scan3A_390#0, %scan3A_531 = %scan3A_390#1) -> (vector<16xf32>, vector<16xf32>)  : i32 {
      %get3A_532 = arith.index_cast %scan3A_529 : i32 to index
      %get3A_533 = arith.constant 0 : index
      %get3A_534 = tpu.vector_load %arg6[%get3A_532, %get3A_533] {strides = array<i32>} : memref<256x128xf32, #tpu.memory_space<vmem>>, vector<16xf32>,
      %add3A_535 = arith.addf %scan3A_530, %get3A_534 : vector<16xf32>
      %get3A_536 = arith.index_cast %scan3A_529 : i32 to index
      %get3A_537 = arith.constant 16 : index
      %get3A_538 = tpu.vector_load %arg6[%get3A_536, %get3A_537] {strides = array<i32>} : memref<256x128xf32, #tpu.memory_space<vmem>>, vector<16xf32>,
      %add3A_539 = arith.addf %scan3A_531, %get3A_538 : vector<16xf32>
      scf.yield %add3A_535, %add3A_539 : vector<16xf32>, vector<16xf32>
    }
    %scan3A_397 = arith.constant 256 : i32
    "tpu.region"() ({
      %run_scoped3A = tpu.sem_alloc : memref<!tpu.dma_semaphore, #tpu.memory_space<semaphore_mem>>
      %dma_start3A = arith.constant 0 : i32
      %dma_start3A_529 = arith.constant 0 : i32
      %dma_start3A_530 = tpu.memref_slice %arg3[%add3A_385, %dma_start3A, %dma_start3A_529] : memref<128x512x512xf32, #tpu.memory_space<hbm>> -> memref<1x256x128xf32, #tpu.memory_space<hbm>>
      %dma_start3A_531 = tpu.memref_squeeze %dma_start3A_530 : memref<1x256x128xf32, #tpu.memory_space<hbm>> -> memref<256x128xf32, #tpu.memory_space<hbm>>
      %dma_start3A_532 = arith.constant 0 : i32
      %dma_start3A_533 = arith.constant 0 : i32
      %dma_start3A_534 = tpu.memref_slice %arg3[%add3A_385, %dma_start3A_532, %dma_start3A_533] : memref<128x512x512xf32, #tpu.memory_space<hbm>> -> memref<1x256x128xf32, #tpu.memory_space<hbm>>
      %dma_start3A_535 = tpu.memref_squeeze %dma_start3A_534 : memref<1x256x128xf32, #tpu.memory_space<hbm>> -> memref<256x128xf32, #tpu.memory_space<hbm>>
      tpu.enqueue_dma source(%dma_start3A_535 : memref<256x128xf32, #tpu.memory_space<hbm>>) target(%arg6 : memref<256x128xf32, #tpu.memory_space<vmem>>) target_semaphore(%run_scoped3A : memref<!tpu.dma_semaphore, #tpu.memory_space<semaphore_mem>>)
      %dma_wait3A = arith.constant 0 : i32
      %dma_wait3A_536 = arith.constant 0 : i32
      %dma_wait3A_537 = tpu.memref_slice %arg3[%add3A_385, %dma_wait3A, %dma_wait3A_536] : memref<128x512x512xf32, #tpu.memory_space<hbm>> -> memref<1x256x128xf32, #tpu.memory_space<hbm>>
      %dma_wait3A_538 = tpu.memref_squeeze %dma_wait3A_537 : memref<1x256x128xf32, #tpu.memory_space<hbm>> -> memref<256x128xf32, #tpu.memory_space<hbm>>
      %dma_wait3A_539 = arith.constant 0 : i32
      %dma_wait3A_540 = arith.constant 0 : i32
      %dma_wait3A_541 = tpu.memref_slice %arg3[%add3A_385, %dma_wait3A_539, %dma_wait3A_540] : memref<128x512x512xf32, #tpu.memory_space<hbm>> -> memref<1x256x128xf32, #tpu.memory_space<hbm>>
      %dma_wait3A_542 = tpu.memref_squeeze %dma_wait3A_541 : memref<1x256x128xf32, #tpu.memory_space<hbm>> -> memref<256x128xf32, #tpu.memory_space<hbm>>
      tpu.wait_dma2 semaphore(%run_scoped3A : memref<!tpu.dma_semaphore, #tpu.memory_space<semaphore_mem>>) src(%dma_wait3A_542 : memref<256x128xf32, #tpu.memory_space<hbm>>) dst(%arg6 : memref<256x128xf32, #tpu.memory_space<vmem>>)
      tpu.yield
    }) : () -> ()
    %scan3A_398 = arith.constant 0 : i32
    %scan3A_399 = arith.constant 256 : i32
    %scan3A_400 = arith.addi %scan3A_398, %scan3A_399 : i32
    %scan3A_401 = arith.constant 1 : i32
    %scan3A_402:2 = scf.for %scan3A_529 = %scan3A_398 to %scan3A_400 step %scan3A_401 iter_args(%scan3A_530 = %broadcast_in_dim3A_9, %scan3A_531 = %broadcast_in_dim3A_9) -> (vector<16xf32>, vector<16xf32>)  : i32 {
      %get3A_532 = arith.index_cast %scan3A_529 : i32 to index
      %get3A_533 = arith.constant 0 : index
      %get3A_534 = tpu.vector_load %arg6[%get3A_532, %get3A_533] {strides = array<i32>} : memref<256x128xf32, #tpu.memory_space<vmem>>, vector<16xf32>,
      %add3A_535 = arith.addf %scan3A_530, %get3A_534 : vector<16xf32>
      %get3A_536 = arith.index_cast %scan3A_529 : i32 to index
      %get3A_537 = arith.constant 16 : index
      %get3A_538 = tpu.vector_load %arg6[%get3A_536, %get3A_537] {strides = array<i32>} : memref<256x128xf32, #tpu.memory_space<vmem>>, vector<16xf32>,
      %add3A_539 = arith.addf %scan3A_531, %get3A_538 : vector<16xf32>
      scf.yield %add3A_535, %add3A_539 : vector<16xf32>, vector<16xf32>
    }
    %scan3A_403 = arith.constant 256 : i32
    "tpu.region"() ({
      %run_scoped3A = tpu.sem_alloc : memref<!tpu.dma_semaphore, #tpu.memory_space<semaphore_mem>>
      %dma_start3A = arith.constant 256 : i32
      %dma_start3A_529 = arith.constant 0 : i32
      %dma_start3A_530 = tpu.memref_slice %arg3[%add3A_385, %dma_start3A, %dma_start3A_529] : memref<128x512x512xf32, #tpu.memory_space<hbm>> -> memref<1x256x128xf32, #tpu.memory_space<hbm>>
      %dma_start3A_531 = tpu.memref_squeeze %dma_start3A_530 : memref<1x256x128xf32, #tpu.memory_space<hbm>> -> memref<256x128xf32, #tpu.memory_space<hbm>>
      %dma_start3A_532 = arith.constant 256 : i32
      %dma_start3A_533 = arith.constant 0 : i32
      %dma_start3A_534 = tpu.memref_slice %arg3[%add3A_385, %dma_start3A_532, %dma_start3A_533] : memref<128x512x512xf32, #tpu.memory_space<hbm>> -> memref<1x256x128xf32, #tpu.memory_space<hbm>>
      %dma_start3A_535 = tpu.memref_squeeze %dma_start3A_534 : memref<1x256x128xf32, #tpu.memory_space<hbm>> -> memref<256x128xf32, #tpu.memory_space<hbm>>
      tpu.enqueue_dma source(%dma_start3A_535 : memref<256x128xf32, #tpu.memory_space<hbm>>) target(%arg6 : memref<256x128xf32, #tpu.memory_space<vmem>>) target_semaphore(%run_scoped3A : memref<!tpu.dma_semaphore, #tpu.memory_space<semaphore_mem>>)
      %dma_wait3A = arith.constant 256 : i32
      %dma_wait3A_536 = arith.constant 0 : i32
      %dma_wait3A_537 = tpu.memref_slice %arg3[%add3A_385, %dma_wait3A, %dma_wait3A_536] : memref<128x512x512xf32, #tpu.memory_space<hbm>> -> memref<1x256x128xf32, #tpu.memory_space<hbm>>
      %dma_wait3A_538 = tpu.memref_squeeze %dma_wait3A_537 : memref<1x256x128xf32, #tpu.memory_space<hbm>> -> memref<256x128xf32, #tpu.memory_space<hbm>>
      %dma_wait3A_539 = arith.constant 256 : i32
      %dma_wait3A_540 = arith.constant 0 : i32
      %dma_wait3A_541 = tpu.memref_slice %arg3[%add3A_385, %dma_wait3A_539, %dma_wait3A_540] : memref<128x512x512xf32, #tpu.memory_space<hbm>> -> memref<1x256x128xf32, #tpu.memory_space<hbm>>
      %dma_wait3A_542 = tpu.memref_squeeze %dma_wait3A_541 : memref<1x256x128xf32, #tpu.memory_space<hbm>> -> memref<256x128xf32, #tpu.memory_space<hbm>>
      tpu.wait_dma2 semaphore(%run_scoped3A : memref<!tpu.dma_semaphore, #tpu.memory_space<semaphore_mem>>) src(%dma_wait3A_542 : memref<256x128xf32, #tpu.memory_space<hbm>>) dst(%arg6 : memref<256x128xf32, #tpu.memory_space<vmem>>)
      tpu.yield
    }) : () -> ()
    %scan3A_404 = arith.constant 0 : i32
    %scan3A_405 = arith.constant 256 : i32
    %scan3A_406 = arith.addi %scan3A_404, %scan3A_405 : i32
    %scan3A_407 = arith.constant 1 : i32
    %scan3A_408:2 = scf.for %scan3A_529 = %scan3A_404 to %scan3A_406 step %scan3A_407 iter_args(%scan3A_530 = %scan3A_402#0, %scan3A_531 = %scan3A_402#1) -> (vector<16xf32>, vector<16xf32>)  : i32 {
      %get3A_532 = arith.index_cast %scan3A_529 : i32 to index
      %get3A_533 = arith.constant 0 : index
      %get3A_534 = tpu.vector_load %arg6[%get3A_532, %get3A_533] {strides = array<i32>} : memref<256x128xf32, #tpu.memory_space<vmem>>, vector<16xf32>,
      %add3A_535 = arith.addf %scan3A_530, %get3A_534 : vector<16xf32>
      %get3A_536 = arith.index_cast %scan3A_529 : i32 to index
      %get3A_537 = arith.constant 16 : index
      %get3A_538 = tpu.vector_load %arg6[%get3A_536, %get3A_537] {strides = array<i32>} : memref<256x128xf32, #tpu.memory_space<vmem>>, vector<16xf32>,
      %add3A_539 = arith.addf %scan3A_531, %get3A_538 : vector<16xf32>
      scf.yield %add3A_535, %add3A_539 : vector<16xf32>, vector<16xf32>
    }
    %scan3A_409 = arith.constant 256 : i32
    %sub3A_410 = arith.subf %scan3A_396#0, %scan3A_408#0 : vector<16xf32>
    %abs3A_411 = math.absf %sub3A_410 : vector<16xf32>
    %mul3A_412 = arith.constant 0.001953125 : f32
    %mul3A_413 = vector.broadcast %mul3A_412 : f32 to vector<16xf32>
    %mul3A_414 = arith.mulf %abs3A_411, %mul3A_413 : vector<16xf32>
    %sub3A_415 = arith.subf %scan3A_396#1, %scan3A_408#1 : vector<16xf32>
    %abs3A_416 = math.absf %sub3A_415 : vector<16xf32>
    %mul3A_417 = arith.constant 0.001953125 : f32
    %mul3A_418 = vector.broadcast %mul3A_417 : f32 to vector<16xf32>
    %mul3A_419 = arith.mulf %abs3A_416, %mul3A_418 : vector<16xf32>
    %get3A_420 = arith.index_cast %add3A_385 : i32 to index
    %get3A_421 = arith.constant 0 : index
    %get3A_422 = tpu.vector_load %arg7[%get3A_420, %get3A_421] {strides = array<i32>} : memref<128x128xf32, #tpu.memory_space<vmem>>, vector<16xf32>,
    %get3A_423 = arith.index_cast %add3A_385 : i32 to index
    %get3A_424 = arith.constant 16 : index
    %get3A_425 = tpu.vector_load %arg7[%get3A_423, %get3A_424] {strides = array<i32>} : memref<128x128xf32, #tpu.memory_space<vmem>>, vector<16xf32>,
    %get3A_426 = arith.index_cast %add3A_385 : i32 to index
    %get3A_427 = arith.constant 32 : index
    %get3A_428 = tpu.vector_load %arg7[%get3A_426, %get3A_427] {strides = array<i32>} : memref<128x128xf32, #tpu.memory_space<vmem>>, vector<16xf32>,
    %get3A_429 = arith.index_cast %add3A_385 : i32 to index
    %get3A_430 = arith.constant 48 : index
    %get3A_431 = tpu.vector_load %arg7[%get3A_429, %get3A_430] {strides = array<i32>} : memref<128x128xf32, #tpu.memory_space<vmem>>, vector<16xf32>,
    %get3A_432 = arith.index_cast %add3A_385 : i32 to index
    %get3A_433 = arith.constant 64 : index
    %get3A_434 = tpu.vector_load %arg7[%get3A_432, %get3A_433] {strides = array<i32>} : memref<128x128xf32, #tpu.memory_space<vmem>>, vector<16xf32>,
    %get3A_435 = arith.index_cast %add3A_385 : i32 to index
    %get3A_436 = arith.constant 80 : index
    %get3A_437 = tpu.vector_load %arg7[%get3A_435, %get3A_436] {strides = array<i32>} : memref<128x128xf32, #tpu.memory_space<vmem>>, vector<16xf32>,
    %gt3A_438 = arith.cmpf ogt, %get3A_422, %broadcast_in_dim3A_3 : vector<16xf32>
    %select_n3A_439 = arith.select %gt3A_438, %broadcast_in_dim3A_7, %broadcast_in_dim3A_9 : vector<16xi1>, vector<16xf32>
    %sub3A_440 = arith.subf %broadcast_in_dim3A_3, %get3A_422 : vector<16xf32>
    %mul3A_441 = arith.mulf %sub3A_440, %broadcast_in_dim3A_5 : vector<16xf32>
    %exp3A_442 = math.exp %mul3A_441 : vector<16xf32>
    %add3A_443 = arith.addf %broadcast_in_dim3A_7, %exp3A_442 : vector<16xf32>
    %div3A_444 = arith.divf %broadcast_in_dim3A_7, %add3A_443 : vector<16xf32>
    %mul3A_445 = arith.mulf %select_n3A_439, %div3A_444 : vector<16xf32>
    %gt3A_446 = arith.cmpf ogt, %get3A_425, %broadcast_in_dim3A_3 : vector<16xf32>
    %select_n3A_447 = arith.select %gt3A_446, %broadcast_in_dim3A_7, %broadcast_in_dim3A_9 : vector<16xi1>, vector<16xf32>
    %sub3A_448 = arith.subf %broadcast_in_dim3A_3, %get3A_425 : vector<16xf32>
    %mul3A_449 = arith.mulf %sub3A_448, %broadcast_in_dim3A_5 : vector<16xf32>
    %exp3A_450 = math.exp %mul3A_449 : vector<16xf32>
    %add3A_451 = arith.addf %broadcast_in_dim3A_7, %exp3A_450 : vector<16xf32>
    %div3A_452 = arith.divf %broadcast_in_dim3A_7, %add3A_451 : vector<16xf32>
    %mul3A_453 = arith.mulf %select_n3A_447, %div3A_452 : vector<16xf32>
    %mul3A_454 = arith.mulf %mul3A_414, %mul3A_445 : vector<16xf32>
    %reduce_sum3A_455 = arith.constant true
    %reduce_sum3A_456 = vector.broadcast %reduce_sum3A_455 : i1 to vector<16xi1>
    %reduce_sum3A_457 = tpu.scan <sum>, %mul3A_454 masked %reduce_sum3A_456 : vector<16xf32>, vector<16xi1> -> vector<16xf32>
    %reduce_sum3A_458 = vector.extract %reduce_sum3A_457[15] : f32 from vector<16xf32>
    %mul3A_459 = arith.mulf %mul3A_419, %mul3A_453 : vector<16xf32>
    %reduce_sum3A_460 = arith.constant true
    %reduce_sum3A_461 = vector.broadcast %reduce_sum3A_460 : i1 to vector<16xi1>
    %reduce_sum3A_462 = tpu.scan <sum>, %mul3A_459 masked %reduce_sum3A_461 : vector<16xf32>, vector<16xi1> -> vector<16xf32>
    %reduce_sum3A_463 = vector.extract %reduce_sum3A_462[15] : f32 from vector<16xf32>
    %add3A_464 = arith.addf %reduce_sum3A_458, %reduce_sum3A_463 : f32
    %eq3A_465 = arith.cmpf oeq, %get3A_431, %get3A_434 : vector<16xf32>
    %select_n3A_466 = arith.select %eq3A_465, %broadcast_in_dim3A_7, %broadcast_in_dim3A_9 : vector<16xi1>, vector<16xf32>
    %sub3A_467 = arith.subf %get3A_428, %get3A_434 : vector<16xf32>
    %abs3A_468 = math.absf %sub3A_467 : vector<16xf32>
    %mul3A_469 = arith.mulf %select_n3A_466, %abs3A_468 : vector<16xf32>
    %reduce_sum3A_470 = arith.constant true
    %reduce_sum3A_471 = vector.broadcast %reduce_sum3A_470 : i1 to vector<16xi1>
    %reduce_sum3A_472 = tpu.scan <sum>, %mul3A_469 masked %reduce_sum3A_471 : vector<16xf32>, vector<16xi1> -> vector<16xf32>
    %reduce_sum3A_473 = vector.extract %reduce_sum3A_472[15] : f32 from vector<16xf32>
    %sub3A_474 = arith.subf %broadcast_in_dim3A_3, %get3A_428 : vector<16xf32>
    %mul3A_475 = arith.mulf %sub3A_474, %broadcast_in_dim3A_5 : vector<16xf32>
    %exp3A_476 = math.exp %mul3A_475 : vector<16xf32>
    %add3A_477 = arith.addf %broadcast_in_dim3A_7, %exp3A_476 : vector<16xf32>
    %div3A_478 = arith.divf %broadcast_in_dim3A_7, %add3A_477 : vector<16xf32>
    %mul3A_479 = arith.mulf %div3A_478, %get3A_437 : vector<16xf32>
    %reduce_sum3A_480 = arith.constant true
    %reduce_sum3A_481 = vector.broadcast %reduce_sum3A_480 : i1 to vector<16xi1>
    %reduce_sum3A_482 = tpu.scan <sum>, %mul3A_479 masked %reduce_sum3A_481 : vector<16xf32>, vector<16xi1> -> vector<16xf32>
    %reduce_sum3A_483 = vector.extract %reduce_sum3A_482[15] : f32 from vector<16xf32>
    %mul3A_484 = arith.constant 1.000000e+00 : f32
    %mul3A_485 = arith.mulf %add3A_464, %mul3A_484 : f32
    %mul3A_486 = arith.constant 1.000000e+00 : f32
    %mul3A_487 = arith.mulf %reduce_sum3A_473, %mul3A_486 : f32
    %sub3A_488 = arith.subf %mul3A_485, %mul3A_487 : f32
    %mul3A_489 = arith.constant 1.000000e+00 : f32
    %mul3A_490 = arith.mulf %reduce_sum3A_483, %mul3A_489 : f32
    %sub3A_491 = arith.subf %sub3A_488, %mul3A_490 : f32
    %eq3A_492 = arith.constant 3 : i32
    %eq3A_493 = vector.broadcast %eq3A_492 : i32 to vector<16xi32>
    %eq3A_494 = arith.cmpi eq, %iota3A, %eq3A_493 : vector<16xi32>
    %broadcast_in_dim3A_495 = vector.broadcast %sub3A_491 : f32 to vector<16xf32>
    %select_n3A_496 = arith.select %eq3A_494, %broadcast_in_dim3A_495, %select_n3A_383 : vector<16xi1>, vector<16xf32>
    %eq3A_497 = arith.constant 7 : i32
    %eq3A_498 = vector.broadcast %eq3A_497 : i32 to vector<16xi32>
    %eq3A_499 = arith.cmpi eq, %iota3A, %eq3A_498 : vector<16xi32>
    %broadcast_in_dim3A_500 = vector.broadcast %add3A_464 : f32 to vector<16xf32>
    %select_n3A_501 = arith.select %eq3A_499, %broadcast_in_dim3A_500, %select_n3A_496 : vector<16xi1>, vector<16xf32>
    %eq3A_502 = arith.constant 11 : i32
    %eq3A_503 = vector.broadcast %eq3A_502 : i32 to vector<16xi32>
    %eq3A_504 = arith.cmpi eq, %iota3A, %eq3A_503 : vector<16xi32>
    %broadcast_in_dim3A_505 = vector.broadcast %reduce_sum3A_473 : f32 to vector<16xf32>
    %select_n3A_506 = arith.select %eq3A_504, %broadcast_in_dim3A_505, %select_n3A_501 : vector<16xi1>, vector<16xf32>
    %eq3A_507 = arith.constant 15 : i32
    %eq3A_508 = vector.broadcast %eq3A_507 : i32 to vector<16xi32>
    %eq3A_509 = arith.cmpi eq, %iota3A, %eq3A_508 : vector<16xi32>
    %broadcast_in_dim3A_510 = vector.broadcast %reduce_sum3A_483 : f32 to vector<16xf32>
    %select_n3A_511 = arith.select %eq3A_509, %broadcast_in_dim3A_510, %select_n3A_506 : vector<16xi1>, vector<16xf32>
    %swap3A = arith.constant 0 : index
    %swap3A_512 = tpu.vector_load %arg8[%swap3A] {strides = array<i32>} : memref<128xf32, #tpu.memory_space<vmem>>, vector<16xf32>,
    tpu.vector_store %arg8[%swap3A], %select_n3A_511 {strides = array<i32>} : memref<128xf32, #tpu.memory_space<vmem>>, vector<16xf32>,
    %swap3A_513 = arith.constant 16 : index
    %swap3A_514 = tpu.vector_load %arg8[%swap3A_513] {strides = array<i32>} : memref<128xf32, #tpu.memory_space<vmem>>, vector<16xf32>,
    tpu.vector_store %arg8[%swap3A_513], %broadcast_in_dim3A_9 {strides = array<i32>} : memref<128xf32, #tpu.memory_space<vmem>>, vector<16xf32>,
    %swap3A_515 = arith.constant 32 : index
    %swap3A_516 = tpu.vector_load %arg8[%swap3A_515] {strides = array<i32>} : memref<128xf32, #tpu.memory_space<vmem>>, vector<16xf32>,
    tpu.vector_store %arg8[%swap3A_515], %broadcast_in_dim3A_9 {strides = array<i32>} : memref<128xf32, #tpu.memory_space<vmem>>, vector<16xf32>,
    %swap3A_517 = arith.constant 48 : index
    %swap3A_518 = tpu.vector_load %arg8[%swap3A_517] {strides = array<i32>} : memref<128xf32, #tpu.memory_space<vmem>>, vector<16xf32>,
    tpu.vector_store %arg8[%swap3A_517], %broadcast_in_dim3A_9 {strides = array<i32>} : memref<128xf32, #tpu.memory_space<vmem>>, vector<16xf32>,
    %swap3A_519 = arith.constant 64 : index
    %swap3A_520 = tpu.vector_load %arg8[%swap3A_519] {strides = array<i32>} : memref<128xf32, #tpu.memory_space<vmem>>, vector<16xf32>,
    tpu.vector_store %arg8[%swap3A_519], %broadcast_in_dim3A_9 {strides = array<i32>} : memref<128xf32, #tpu.memory_space<vmem>>, vector<16xf32>,
    %swap3A_521 = arith.constant 80 : index
    %swap3A_522 = tpu.vector_load %arg8[%swap3A_521] {strides = array<i32>} : memref<128xf32, #tpu.memory_space<vmem>>, vector<16xf32>,
    tpu.vector_store %arg8[%swap3A_521], %broadcast_in_dim3A_9 {strides = array<i32>} : memref<128xf32, #tpu.memory_space<vmem>>, vector<16xf32>,
    %swap3A_523 = arith.constant 96 : index
    %swap3A_524 = tpu.vector_load %arg8[%swap3A_523] {strides = array<i32>} : memref<128xf32, #tpu.memory_space<vmem>>, vector<16xf32>,
    tpu.vector_store %arg8[%swap3A_523], %broadcast_in_dim3A_9 {strides = array<i32>} : memref<128xf32, #tpu.memory_space<vmem>>, vector<16xf32>,
    %swap3A_525 = arith.constant 112 : index
    %swap3A_526 = tpu.vector_load %arg8[%swap3A_525] {strides = array<i32>} : memref<128xf32, #tpu.memory_space<vmem>>, vector<16xf32>,
    tpu.vector_store %arg8[%swap3A_525], %broadcast_in_dim3A_9 {strides = array<i32>} : memref<128xf32, #tpu.memory_space<vmem>>, vector<16xf32>,
    %mul3A_527 = arith.constant 128 : i32
    %mul3A_528 = arith.muli %add3A, %mul3A_527 : i32
    "tpu.region"() ({
      %run_scoped3A = tpu.sem_alloc : memref<!tpu.dma_semaphore, #tpu.memory_space<semaphore_mem>>
      %dma_start3A = tpu.memref_slice %arg5[%mul3A_528] : memref<4096xf32, #tpu.memory_space<hbm>> -> memref<128xf32, #tpu.memory_space<hbm>>
      %dma_start3A_529 = tpu.memref_slice %arg5[%mul3A_528] : memref<4096xf32, #tpu.memory_space<hbm>> -> memref<128xf32, #tpu.memory_space<hbm>>
      tpu.enqueue_dma source(%arg8 : memref<128xf32, #tpu.memory_space<vmem>>) target(%dma_start3A_529 : memref<128xf32, #tpu.memory_space<hbm>>) target_semaphore(%run_scoped3A : memref<!tpu.dma_semaphore, #tpu.memory_space<semaphore_mem>>)
      %dma_wait3A = tpu.memref_slice %arg5[%mul3A_528] : memref<4096xf32, #tpu.memory_space<hbm>> -> memref<128xf32, #tpu.memory_space<hbm>>
      %dma_wait3A_530 = tpu.memref_slice %arg5[%mul3A_528] : memref<4096xf32, #tpu.memory_space<hbm>> -> memref<128xf32, #tpu.memory_space<hbm>>
      tpu.wait_dma2 semaphore(%run_scoped3A : memref<!tpu.dma_semaphore, #tpu.memory_space<semaphore_mem>>) src(%arg8 : memref<128xf32, #tpu.memory_space<vmem>>) dst(%dma_wait3A_530 : memref<128xf32, #tpu.memory_space<hbm>>)
      tpu.yield
    }) : () -> ()
    return
  }
}

</mosaic_0001>

<sc_bundles>
// kernel: kernel.3.cloned.1.call-start
scs
__scs_entry_jumppad:
0x0: {  	(pc) =	sbr.rel $0x88, $3  }
0x1: {  	(tag) =	ssettag $0x0;
	lr =	simm.s32 $0x1  }
0x2: {  	[smem:$0x3F9C] =	sst lr;
	_ =	strace $0xD0000000  }
0x3: {  	_ = 	snop  }
0x4: {  	_ = 	snop  }
0x5: {  	_ = 	snop  }
0x6: {  	_ = 	snop  }
0x7: {  	_ = 	snop  }
__scs_overlays_trampoline_lowered:
0x8: {  	[smem:$0x3FAB] =	sst s0  }
0x9: {  	[smem:$0x3FAC] =	sst s1  }
0xa: {  	[smem:$0x3FAD] =	sst s2  }
0xb: {  	[smem:$0x3FAE] =	sst s3  }
0xc: {  	[smem:$0x3FAF] =	sst s4  }
0xd: {  	[smem:$0x3FB0] =	sst s5  }
0xe: {  	[smem:$0x3FB1] =	sst s6  }
0xf: {  	[smem:$0x3FB2] =	sst s7  }
0x10: {  	[smem:$0x3FB3] =	sst s8  }
0x11: {  	[smem:$0x3FB4] =	sst s9;
	s0 =	simm.s32 @!p0 $0x0  }
0x12: {  	s1 =	sld [smem:$0x3F9A];
	s0 =	simm.s32 @p0 $0x1  }
0x13: {  	[smem:$0x3FB5] =	sst s0;
	s0 =	simm.s32 @!p1 $0x0  }
0x14: {  	s2 =	sld [smem:$0x3F99];
	s0 =	simm.s32 @p1 $0x1  }
0x15: {  	[smem:$0x3FB6] =	sst s0;
	s0 =	simm.s32 @!p2 $0x0  }
0x16: {  	s3 =	sld [smem:$0x3FDB];
	s0 =	simm.s32 @p2 $0x1  }
0x17: {  	s4 =	simm.s32 $0x1BF5;
	[smem:$0x3FB8] =	sst s0  }
0x18: {  	s0 =	sld [smem:$0x3F9B];
	_ =	swait.ge [sflag:s4], $0x0  }
0x19: {  	s7 =	sld [smem:$0x3F9C]  }
0x1a: {  	s8 =	sadd.s32 $0xFFFFE003, lr  }
0x1b: {  	s9 =	sadd.s32 $0xFFFFFEF7, lr;
	s5 =	simm.s32 $0xFFFFFFFF;
	p2 =	slt.u32 s8, $0xFFFFF086  }
0x1c: {  	p1 =	slt.u32 s9, $0xF7A;
	s5 =	simm.s32 @!p2 $0x0  }
0x1d: {  	s5 =	simm.s32 @p1 $0x1;
	p0 =	seq.s32 s7, s2  }
0x1e: {  	s7 =	smul.u32 @!p0 $0xF7A, s2;
	p2 =	seq.s32 @!p0 s5, $0x0  }
0x1f: {  	s9 =	smul.u32 $0xF7A, s1;
	s8 =	simm.s32 @!p0 $0x1BF5;
	p2 =	por !p2, p0  }
0x20: {  	[sflag:s8] =	ssyncset.s32 @!p0 $0xFFFFF086;
	s6 =	sadd.s32 @!p0 s3, s7;
	s7 =	simm.s32 @!p0 $0x108  }
0x21: {  	s3 =	sadd.s32 s3, s9;
	s6 =	sadd.s32 @!p0 $0x88, s6;
	s7 =	simm.s32 @p2 $0x1082  }
0x22: {  	[simem:s7], [sflag:s8] =	dma.local @!p0 [hbm:s6], $0xF7A  }
0x23: {  	s9 =	sor.u32 $0xD0000000, s2;
	s6 =	simm.s32 $0x108;
	_ =	swait.ge @!p0 [sflag:s8], $0x0  }
0x24: {  	s3 =	sadd.s32 $0x88, s3;
	s6 =	simm.s32 @!p1 $0x1082;
	[sflag:s4] =	ssyncset.s32 $0xFFFFF086  }
0x25: {  	[simem:s6], [sflag:s4] =	dma.local [hbm:s3], $0xF7A  }
0x26: {  	[smem:$0x3F9C] =	sst s1;
	(tag) =	ssettag s2;
	_ =	strace s9  }
0x27: {  	s1 =	sld [smem:$0x3FAC]  }
0x28: {  	s2 =	sld [smem:$0x3FAD]  }
0x29: {  	s4 =	sld [smem:$0x3FAF]  }
0x2a: {  	p0 =	seq.s32 s5, $0x0;
	s5 =	sld [smem:$0x3FB0]  }
0x2b: {  	s6 =	sld [smem:$0x3FB1]  }
0x2c: {  	s7 =	sld [smem:$0x3FB2]  }
0x2d: {  	s3 =	simm.s32 $0x108;
	s8 =	sld [smem:$0x3FB3]  }
0x2e: {  	s3 =	simm.s32 @!p0 $0x1082;
	s9 =	sld [smem:$0x3FB4]  }
0x2f: {  	lr =	sadd.s32 s0, s3;
	s0 =	sld [smem:$0x3FAB]  }
0x30: {  	s3 =	sld [smem:$0x3FAE]  }
0x31: {  	[smem:$0x3FB7] =	sst s10  }
0x32: {  	s10 =	sld [smem:$0x3FB5];
	_ =	sdelay $0x3  }
0x33: {  	p0 =	seq.s32 s10, $0x1;
	s10 =	sld [smem:$0x3FB7];
	_ =	sdelay $0x3  }
0x34: {  	[smem:$0x3FB7] =	sst s10  }
0x35: {  	s10 =	sld [smem:$0x3FB6];
	_ =	sdelay $0x3  }
0x36: {  	p1 =	seq.s32 s10, $0x1;
	s10 =	sld [smem:$0x3FB7];
	_ =	sdelay $0x3  }
0x37: {  	[smem:$0x3FB7] =	sst s10  }
0x38: {  	s10 =	sld [smem:$0x3FB8]  }
0x39: {  	_ = 	snop;
	(pc) =	sbr.ind lr, $3  }
0x3a: {  	_ = 	snop  }
0x3b: {  	_ = 	snop  }
0x3c: {  	p2 =	seq.s32 s10, $0x1;
	s10 =	sld [smem:$0x3FB7]  }
0x3d: {  	_ =	shalt  }
0x3e: {  	_ =	shalt  }
0x3f: {  	_ =	shalt  }
0x40: {  	_ =	shalt  }
0x41: {  	_ =	shalt  }
0x42: {  	_ =	shalt  }
0x43: {  	_ =	shalt  }
0x44: {  	_ =	shalt  }
0x45: {  	_ =	shalt  }
0x46: {  	_ =	shalt  }
0x47: {  	_ =	shalt  }
0x48: {  	_ =	shalt  }
0x49: {  	_ =	shalt  }
0x4a: {  	_ =	shalt  }
0x4b: {  	_ =	shalt  }
0x4c: {  	_ =	shalt  }
0x4d: {  	_ =	shalt  }
0x4e: {  	_ =	shalt  }
0x4f: {  	_ =	shalt  }
0x50: {  	_ =	shalt  }
0x51: {  	_ =	shalt  }
0x52: {  	_ =	shalt  }
0x53: {  	_ =	shalt  }
0x54: {  	_ =	shalt  }
0x55: {  	_ =	shalt  }
0x56: {  	_ =	shalt  }
0x57: {  	_ =	shalt  }
0x58: {  	_ =	shalt  }
0x59: {  	_ =	shalt  }
0x5a: {  	_ =	shalt  }
0x5b: {  	_ =	shalt  }
0x5c: {  	_ =	shalt  }
0x5d: {  	_ =	shalt  }
0x5e: {  	_ =	shalt  }
0x5f: {  	_ =	shalt  }
0x60: {  	_ =	shalt  }
0x61: {  	_ =	shalt  }
0x62: {  	_ =	shalt  }
0x63: {  	_ =	shalt  }
0x64: {  	_ =	shalt  }
0x65: {  	_ =	shalt  }
0x66: {  	_ =	shalt  }
0x67: {  	_ =	shalt  }
0x68: {  	_ =	shalt  }
0x69: {  	_ =	shalt  }
0x6a: {  	_ =	shalt  }
0x6b: {  	_ =	shalt  }
0x6c: {  	_ =	shalt  }
0x6d: {  	_ =	shalt  }
0x6e: {  	_ =	shalt  }
0x6f: {  	_ =	shalt  }
0x70: {  	_ =	shalt  }
0x71: {  	_ =	shalt  }
0x72: {  	_ =	shalt  }
0x73: {  	_ =	shalt  }
0x74: {  	_ =	shalt  }
0x75: {  	_ =	shalt  }
0x76: {  	_ =	shalt  }
0x77: {  	_ =	shalt  }
0x78: {  	_ =	shalt  }
0x79: {  	_ =	shalt  }
0x7a: {  	_ =	shalt  }
0x7b: {  	_ =	shalt  }
0x7c: {  	_ =	shalt  }
0x7d: {  	_ =	shalt  }
0x7e: {  	_ =	shalt  }
0x7f: {  	_ =	shalt  }
0x80: {  	_ =	shalt  }
0x81: {  	_ =	shalt  }
0x82: {  	_ =	shalt  }
0x83: {  	_ =	shalt  }
0x84: {  	_ =	shalt  }
0x85: {  	_ =	shalt  }
0x86: {  	_ =	shalt  }
0x87: {  	_ =	shalt  }
.Lfunc_end0:
.L_simem_size_0:
called_computation_lowered:
.L_overlay_start_0:
0x88: {  	s2 =	sld [smem:$0x3FD9]  }
0x89: {  	s3 =	sld [smem:$0x3FFE];
	_ =	sdelay $0x1  }
0x8a: {  	s1 =	srdreg.scid  }
0x8b: {  	s0 =	sand.u32 $0x1, s1  }
0x8c: {  	s17 =	sshll.u32 s0, $0xA;
	s2 =	sadd.s32 s3, s2  }
0x8d: {  	s2 =	sadd.s32 s2, s17  }
0x8e: {  	[smem:$0x3FC3] =	sst s2  }
0x8f: {  	_ = 	snop  }
0x90: {  	s2 =	sld [smem:$0x3FC9]  }
0x91: {  	s18 =	sld [smem:$0x3FC8];
	(tm) =	ssettm $0x1  }
0x92: {  	s4 =	sld [smem:$0x3FFB];
	_ =	sdelay $0x3  }
0x93: {  	_ =	strace s4  }
0x94: {  	s4 =	sld [smem:$0x3FFC];
	_ =	sdelay $0x3  }
0x95: {  	_ =	strace s4  }
0x96: {  	s4 =	sld [smem:$0x3FFD];
	_ =	sdelay $0x3  }
0x97: {  	_ =	strace s4  }
0x98: {  	_ =	strace $0x8FFFFFFF  }
0x99: {  	s19 =	sld [smem:$0x3FDB];
	_ =	sdelay $0x1  }
0x9a: {  	s5 =	simm.s32 $_scs_section_size  }
0x9b: {  	s6 =	simm.s32 $_size__tile_overlayer_lowered;
	s7 =	simm.s32 $_tile_overlayer_lowered  }
0x9c: {  	s22 =	simm.s32 $0x1BFF;
	s21 =	sshll.u32 s7, $0x1;
	s4 =	sadd.s32 s5, s19  }
0x9d: {  	s8 =	simm.s32 $0x0;
	s20 =	sshll.u32 s6, $0x1;
	s6 =	sadd.s32 s21, s4  }
0x9e: {  	[timem:s8], [sflag:s22] =	dma.local [hbm:s6], s20  }
0x9f: {  	_ =	swait.ge [sflag:s22], s20  }
0xa0: {  	s5 =	ssub.s32 $0x0, s20;
	[sflag:s22] =	ssyncset.done $0x0  }
0xa1: {  	[sflag:s22] =	ssyncadd.s32 s5;
	_ =	sdelay $0x1  }
0xa2: {  	s23 =	simm.s32 $0x1B8B  }
0xa3: {  	_ =	swait.ge [sflag:s23], $0x1  }
0xa4: {  	[sflag:s23] =	ssyncset.done $0x0  }
0xa5: {  	s25 =	simm.s32 $0x1B8E;
	s24 =	sld [smem:$0x3FFE];
	[sflag:s23] =	ssyncadd.s32 $0xFFFFFFFF  }
0xa6: {  	s26 =	simm.s32 $execute0_lowered;
	[smem:$0x3FD2] =	sst s25  }
0xa7: {  	s6 =	sshll.u32 s26, $0x1;
	_ =	strace $0x80000046;
	[dreg:$0x1] =	wrdreg $0xFFFFFFFF  }
0xa8: {  	s28 =	simm.s32 $_size_execute0_lowered;
	s4 =	sadd.s32 s4, s6;
	[dreg:$0x0] =	wrdreg $0x0  }
0xa9: {  	s6 =	sshll.u32 s28, $0x1;
	[dreg:$0x2] =	wrdreg s4  }
0xaa: {  	[dreg:$0x3] =	wrdreg s6  }
0xab: {  	[dreg:$0x4] =	wrdreg $0xC0  }
0xac: {  	_ =	task [dreg:s8], $0x5FFFF  }
0xad: {  	[dreg:$0x1] =	wrdreg $0xFFFFFFFF  }
0xae: {  	[dreg:$0x0] =	wrdreg $0x60  }
0xaf: {  	[dreg:$0x2] =	wrdreg s2  }
0xb0: {  	[dreg:$0x3] =	wrdreg s18  }
0xb1: {  	[dreg:$0x4] =	wrdreg s24  }
0xb2: {  	[dreg:$0x5] =	wrdreg $0x9  }
0xb3: {  	_ =	task.clear_ibuf [dreg:s8], $0x6FFFF;
	_ =	strace $0x90000046  }
0xb4: {  	s29 =	simm.s32 $0x9;
	_ =	strace $0x80000048  }
0xb5: {  	_ =	swait.ge [sflag:s29], $0x1  }
0xb6: {  	[sflag:s29] =	ssyncadd.s32 $0xFFFFFFFF  }
0xb7: {  	_ =	strace $0x90000048  }
0xb8: {  	_ =	sfence  }
0xb9: {  	s30 =	sld [smem:$0x0];
	_ =	sdelay $0x2  }
0xba: {  	s31 =	sshll.u32 s1, $0xD;
	s1 =	sshrl.u32 s1, $0x2  }
0xbb: {  	s3 =	sand.u32 $0x4000, s31;
	s1 =	sadd.s32 s1, s30  }
0xbc: {  	s0 =	sor.u32 s3, s0;
	s1 =	sshll.u32 s1, $0x11  }
0xbd: {  	s0 =	sor.u32 s1, s0  }
0xbe: {  	s0 =	sadd.s32 $0x8F2B, s0  }
0xbf: {  	[sflag:s0] =	ssyncadd.remote.s32 $0x1  }
0xc0: {  	_ =	sfence.sel $0xFFFF  }
0xc1: {  	[dreg:$0x0] =	wrdreg $0xFFFFFFFF;
	(pc) =	sbr.abs _section_cstart, $3  }
0xc2: {  	[dreg:$0x1] =	wrdreg $0xFFFFFFFF  }
0xc3: {  	_ =	task.clear_ibuf [dreg:s8], $0x2FFFF;
	_ =	strace $0x9FFFFFFF  }
0xc4: {  	(tm) =	ssettm $0x7FFFFFFF  }
0xc5: {  	_ =	shalt  }
tec
execute0_lowered:
.L_overlay_start_1:
0x0: {  	(tag) =	ssettag $0x1  }
0x1: {  	s0 =	rddreg [dreg:$0x0]  }
0x2: {  	s1 =	rddreg [dreg:$0x1]  }
0x3: {  	s24 =	rddreg [dreg:$0x2]  }
0x4: {  	s4 =	srdreg.scid;
	s2 =	stileid.u32  }
0x5: {  	s3 =	simm.s32 $0x0;
	s28 =	simm.s32 $0x1;
	s29 =	simm.s32 $0x400  }
0x6: {  	s30 =	simm.s32 $0x1000;
	s4 =	sand.u32 $0x1, s4;
	s5 =	sshll.u32 s2, $0x1  }
0x7: {  	[smem:$0x7FF] =	sst s3;
	s20 =	sor.u32 s4, s5;
	s4 =	ssub.s32 $0x2, s4  }
0x8: {  	s22 =	sshrl.u32 s4, $0x1;
	s10 =	sshll.u32 s20, $0x2;
	s6 =	sshll.u32 s20, $0x11  }
0x9: {  	s31 =	sshll.u32 s20, $0x4;
	s25 =	ssub.s32 s4, s22;
	s7 =	sor.u32 $0x4000, s6  }
0xa: {  	s21 =	sor.u32 $0x1, s10;
	s23 =	sadd.s32 s0, s6;
	s6 =	sadd.s32 s1, s6  }
0xb: {  	s22 =	sor.u32 $0x2, s10;
	[dreg:$0x4] =	wrdreg s23;
	s26 =	sadd.s32 s0, s7  }
0xc: {  	s11 =	sshll.u32 s21, $0xF;
	s7 =	sadd.s32 s1, s7;
	s14 =	sshll.u32 s22, $0xF  }
0xd: {  	v0 =	vimm.f32 $0.0e+00;
	s23 =	sshllo.u32 s20, $0x2;
	s20 =	sshll.u32 s20, $0x9;
	s21 =	sshll.u32 s21, $0x7  }
0xe: {  	vm0 =	vcmask $0x1310;
	vm1 =	vcmask $0x2320;
	vm2 =	vcmask $0x300;
	s22 =	sshll.u32 s22, $0x7;
	s25 =	smax.u32 s25, $0x1;
	[dreg:$0x5] =	wrdreg s26  }
0xf: {  	vm3 =	vcmask $0x1710;
	vm4 =	vcmask $0x700;
	vm5 =	vcmask $0x2720;
	s12 =	sor.u32 $0x4000, s11;
	s8 =	sadd.s32 s0, s11;
	s10 =	sadd.s32 s1, s11  }
0x10: {  	v1 =	vlaneseq.u32;
	vm6 =	vcmask $0x1B10;
	vm7 =	vcmask $0xB00;
	s15 =	sor.u32 $0x4000, s14;
	s18 =	sshll.u32 s23, $0xF;
	s23 =	sshll.u32 s23, $0x7  }
0x11: {  	vm8 =	vmmov $0x7fff;
	vm2 =	vmor vm2, vm0;
	vm4 =	vmor vm4, vm3;
	s9 =	sadd.s32 s0, s12;
	s11 =	sadd.s32 s1, s12;
	s12 =	sadd.s32 s0, s14  }
0x12: {  	vm3 =	vcmask $0x2724;
	vm6 =	vmor vm7, vm6;
	vm7 =	vcmask $0x2B20;
	s13 =	sadd.s32 s0, s15;
	s14 =	sadd.s32 s1, s14;
	s15 =	sadd.s32 s1, s15  }
0x13: {  	vm2 =	vmor vm2, vm1;
	vm4 =	vmor vm4, vm5;
	vm5 =	vcmask $0x3330;
	s16 =	sadd.s32 s0, s18;
	s19 =	sor.u32 $0x4000, s18;
	s18 =	sadd.s32 s1, s18  }
0x14: {  	vm6 =	vmor vm6, vm7;
	vm7 =	vcmask $0x3730;
	vm4 =	vmor vm4, vm5;
	_ =	strace $0x80000047;
	s17 =	sadd.s32 s0, s19;
	s0 =	sadd.s32 s31, s24  }
0x15: {  	vm5 =	vcmask $0x2B28;
	vm6 =	vmor vm6, vm7;
	vm7 =	vcmask $0x2F2C;
	s19 =	sadd.s32 s1, s19;
	s24 =	sadd.s32 $0x800, s0;
	s0 =	simm.s32 $0x0  }
.LBB2_1:
0x16: {  	s1 =	rddreg [dreg:$0x2];
	s2 =	simm.s32 $0x8000  }
0x17: {  	[tilespmem:s2], [sflag:$0x1] =	stream.linear.gather [hbm4b:s1+s3], $0x4000, $0x38;
	[tilespmem:$0xC080] =	vst v63  }
0x18: {  	_ =	swait.ge [sflag:s28], $0x4000  }
0x19: {  	[sflag:s28] =	ssyncset.done $0x0  }
0x1a: {  	s26 =	rddreg [dreg:$0x4];
	[sflag:s28] =	ssyncadd.s32 $0xFFFFC000  }
0x1b: {  	[tilespmem:s3], [sflag:$0x1] =	stream.strided.gather [hbm4b:s26+s29], $0x8000, s30, s29, $0x38;
	[tilespmem:$0xC080] =	vst v63  }
0x1c: {  	_ =	swait.ge [sflag:s28], $0x8000  }
0x1d: {  	[sflag:s28] =	ssyncset.done $0x0  }
0x1e: {  	s31 =	simm.s32 $0x0;
	[sflag:s28] =	ssyncadd.s32 $0xFFFF8000  }
0x1f: {  	v2 =	vld [tilespmem:s31+$0x10]  }
0x20: {  	v3 =	vimm.f32 $0.0e+00;
	v4 =	vimm.f32 $0.0e+00;
	s1 =	simm.s32 $0x200;
	v5 =	vld [tilespmem:s31+$0x0]  }
.LBB2_2:
0x21: {  	p0 =	sne.s32 s1, $0x1FE00  }
.Ltmp0:
0x22: {  	_ = 	snop;
	(pc) =	sbr.rel @p0 .LBB2_2-.Ltmp0, $4  }
0x23: {  	_ = 	snop  }
0x24: {  	s2 =	sshra.s32 s1, $0x2;
	s1 =	sadd.s32 $0x200, s1;
	v3 =	vadd.f32 v2, v3  }
0x25: {  	v2 =	vld [tilespmem:s2+$0x10];
	v4 =	vadd.f32 v5, v4  }
0x26: {  	v5 =	vld [tilespmem:s2+$0x0]  }
0x27: {  	s1 =	simm.s32 $0x0;
	s2 =	rddreg [dreg:$0x5]  }
0x28: {  	[tilespmem:s1], [sflag:$0x1] =	stream.strided.gather [hbm4b:s2+s29], $0x8000, s30, s29, $0x38;
	[tilespmem:$0xC080] =	vst v63  }
0x29: {  	_ =	swait.ge [sflag:s28], $0x8000  }
0x2a: {  	[sflag:s28] =	ssyncset.done $0x0  }
0x2b: {  	s31 =	simm.s32 $0x0;
	[sflag:s28] =	ssyncadd.s32 $0xFFFF8000  }
0x2c: {  	v6 =	vld [tilespmem:s31+$0x10]  }
0x2d: {  	s1 =	simm.s32 $0x200;
	v2 =	vadd.f32 v2, v3;
	v3 =	vadd.f32 v5, v4;
	v4 =	vld [tilespmem:s31+$0x0]  }
.LBB2_4:
0x2e: {  	p0 =	sne.s32 s1, $0x1FE00  }
.Ltmp1:
0x2f: {  	_ = 	snop;
	(pc) =	sbr.rel @p0 .LBB2_4-.Ltmp1, $4  }
0x30: {  	_ = 	snop  }
0x31: {  	s2 =	sshra.s32 s1, $0x2;
	s1 =	sadd.s32 $0x200, s1;
	v2 =	vadd.f32 v6, v2  }
0x32: {  	v6 =	vld [tilespmem:s2+$0x10];
	v3 =	vadd.f32 v4, v3  }
0x33: {  	v4 =	vld [tilespmem:s2+$0x0]  }
0x34: {  	s1 =	simm.s32 $0x0  }
0x35: {  	[tilespmem:s1], [sflag:$0x1] =	stream.strided.gather [hbm4b:s6+s29], $0x8000, s30, s29, $0x38;
	[tilespmem:$0xC080] =	vst v63  }
0x36: {  	_ =	swait.ge [sflag:s28], $0x8000  }
0x37: {  	[sflag:s28] =	ssyncset.done $0x0  }
0x38: {  	s2 =	simm.s32 $0x0;
	[sflag:s28] =	ssyncadd.s32 $0xFFFF8000  }
0x39: {  	v2 =	vadd.f32 v6, v2;
	v5 =	vld [tilespmem:s2+$0x10]  }
0x3a: {  	s1 =	simm.s32 $0x200;
	v6 =	vimm.f32 $0.0e+00;
	v3 =	vadd.f32 v4, v3;
	v4 =	vimm.f32 $0.0e+00;
	v7 =	vld [tilespmem:s2+$0x0]  }
.LBB2_6:
0x3b: {  	p0 =	sne.s32 s1, $0x1FE00  }
.Ltmp2:
0x3c: {  	_ = 	snop;
	(pc) =	sbr.rel @p0 .LBB2_6-.Ltmp2, $4  }
0x3d: {  	_ = 	snop  }
0x3e: {  	s2 =	sshra.s32 s1, $0x2;
	s1 =	sadd.s32 $0x200, s1;
	v4 =	vadd.f32 v5, v4  }
0x3f: {  	v5 =	vld [tilespmem:s2+$0x10];
	v6 =	vadd.f32 v7, v6  }
0x40: {  	v7 =	vld [tilespmem:s2+$0x0]  }
0x41: {  	s1 =	simm.s32 $0x0  }
0x42: {  	[tilespmem:s1], [sflag:$0x1] =	stream.strided.gather [hbm4b:s7+s29], $0x8000, s30, s29, $0x38;
	[tilespmem:$0xC080] =	vst v63  }
0x43: {  	_ =	swait.ge [sflag:s28], $0x8000  }
0x44: {  	[sflag:s28] =	ssyncset.done $0x0  }
0x45: {  	s2 =	simm.s32 $0x0;
	[sflag:s28] =	ssyncadd.s32 $0xFFFF8000  }
0x46: {  	v12 =	vld [tilespmem:s2+$0x10]  }
0x47: {  	s1 =	simm.s32 $0x200;
	v10 =	vadd.f32 v5, v4;
	v11 =	vadd.f32 v7, v6;
	v13 =	vld [tilespmem:s2+$0x0]  }
.LBB2_8:
0x48: {  	p0 =	sne.s32 s1, $0x1FE00  }
.Ltmp3:
0x49: {  	_ = 	snop;
	(pc) =	sbr.rel @p0 .LBB2_8-.Ltmp3, $4  }
0x4a: {  	_ = 	snop  }
0x4b: {  	s2 =	sshra.s32 s1, $0x2;
	s1 =	sadd.s32 $0x200, s1;
	v10 =	vadd.f32 v12, v10  }
0x4c: {  	v12 =	vld [tilespmem:s2+$0x10];
	v11 =	vadd.f32 v13, v11  }
0x4d: {  	v13 =	vld [tilespmem:s2+$0x0]  }
0x4e: {  	v9 =	vld [tilespmem:s20+$0x8000]  }
0x4f: {  	v8 =	vld [tilespmem:s20+$0x8010]  }
0x50: {  	v7 =	vld [tilespmem:s20+$0x8020]  }
0x51: {  	v5 =	vld [tilespmem:s20+$0x8030]  }
0x52: {  	v6 =	vld [tilespmem:s20+$0x8040];
	s1 =	simm.s32 $0x0  }
0x53: {  	v4 =	vld [tilespmem:s20+$0x8050];
	[tilespmem:s1], [sflag:$0x1] =	stream.strided.gather [hbm4b:s8+s29], $0x8000, s30, s29, $0x38  }
0x54: {  	_ =	swait.ge [sflag:s28], $0x8000  }
0x55: {  	[sflag:s28] =	ssyncset.done $0x0  }
0x56: {  	s2 =	simm.s32 $0x0;
	[sflag:s28] =	ssyncadd.s32 $0xFFFF8000  }
0x57: {  	v10 =	vadd.f32 v12, v10;
	v14 =	vld [tilespmem:s2+$0x10]  }
0x58: {  	s1 =	simm.s32 $0x200;
	v12 =	vimm.f32 $0.0e+00;
	v11 =	vadd.f32 v13, v11;
	v13 =	vimm.f32 $0.0e+00;
	v16 =	vld [tilespmem:s2+$0x0]  }
.LBB2_10:
0x59: {  	p0 =	sne.s32 s1, $0x1FE00  }
.Ltmp4:
0x5a: {  	_ = 	snop;
	(pc) =	sbr.rel @p0 .LBB2_10-.Ltmp4, $4  }
0x5b: {  	_ = 	snop  }
0x5c: {  	s2 =	sshra.s32 s1, $0x2;
	s1 =	sadd.s32 $0x200, s1;
	v12 =	vadd.f32 v14, v12  }
0x5d: {  	v14 =	vld [tilespmem:s2+$0x10];
	v13 =	vadd.f32 v16, v13  }
0x5e: {  	v16 =	vld [tilespmem:s2+$0x0]  }
0x5f: {  	s1 =	simm.s32 $0x0  }
0x60: {  	[tilespmem:s1], [sflag:$0x1] =	stream.strided.gather [hbm4b:s9+s29], $0x8000, s30, s29, $0x38;
	[tilespmem:$0xC080] =	vst v63  }
0x61: {  	_ =	swait.ge [sflag:s28], $0x8000  }
0x62: {  	[sflag:s28] =	ssyncset.done $0x0  }
0x63: {  	s2 =	simm.s32 $0x0;
	[sflag:s28] =	ssyncadd.s32 $0xFFFF8000  }
0x64: {  	v15 =	vld [tilespmem:s2+$0x10]  }
0x65: {  	s1 =	simm.s32 $0x200;
	v12 =	vadd.f32 v14, v12;
	v13 =	vadd.f32 v16, v13;
	v14 =	vld [tilespmem:s2+$0x0]  }
.LBB2_12:
0x66: {  	p0 =	sne.s32 s1, $0x1FE00  }
.Ltmp5:
0x67: {  	_ = 	snop;
	(pc) =	sbr.rel @p0 .LBB2_12-.Ltmp5, $4  }
0x68: {  	_ = 	snop  }
0x69: {  	s2 =	sshra.s32 s1, $0x2;
	s1 =	sadd.s32 $0x200, s1;
	v12 =	vadd.f32 v15, v12  }
0x6a: {  	v15 =	vld [tilespmem:s2+$0x10];
	v13 =	vadd.f32 v14, v13  }
0x6b: {  	v14 =	vld [tilespmem:s2+$0x0]  }
0x6c: {  	s1 =	simm.s32 $0x0  }
0x6d: {  	[tilespmem:s1], [sflag:$0x1] =	stream.strided.gather [hbm4b:s10+s29], $0x8000, s30, s29, $0x38;
	[tilespmem:$0xC080] =	vst v63  }
0x6e: {  	_ =	swait.ge [sflag:s28], $0x8000  }
0x6f: {  	[sflag:s28] =	ssyncset.done $0x0  }
0x70: {  	s2 =	simm.s32 $0x0;
	[sflag:s28] =	ssyncadd.s32 $0xFFFF8000  }
0x71: {  	v12 =	vadd.f32 v15, v12;
	v15 =	vld [tilespmem:s2+$0x10]  }
0x72: {  	v16 =	vimm.f32 $0.0e+00;
	s1 =	simm.s32 $0x200;
	v13 =	vadd.f32 v14, v13;
	v14 =	vimm.f32 $0.0e+00;
	v17 =	vld [tilespmem:s2+$0x0]  }
.LBB2_14:
0x73: {  	p0 =	sne.s32 s1, $0x1FE00  }
.Ltmp6:
0x74: {  	_ = 	snop;
	(pc) =	sbr.rel @p0 .LBB2_14-.Ltmp6, $4  }
0x75: {  	_ = 	snop  }
0x76: {  	s2 =	sshra.s32 s1, $0x2;
	s1 =	sadd.s32 $0x200, s1;
	v14 =	vadd.f32 v15, v14  }
0x77: {  	v15 =	vld [tilespmem:s2+$0x10];
	v16 =	vadd.f32 v17, v16  }
0x78: {  	v17 =	vld [tilespmem:s2+$0x0]  }
0x79: {  	s1 =	simm.s32 $0x0  }
0x7a: {  	[tilespmem:s1], [sflag:$0x1] =	stream.strided.gather [hbm4b:s11+s29], $0x8000, s30, s29, $0x38;
	[tilespmem:$0xC080] =	vst v63  }
0x7b: {  	_ =	swait.ge [sflag:s28], $0x8000  }
0x7c: {  	[sflag:s28] =	ssyncset.done $0x0  }
0x7d: {  	s2 =	simm.s32 $0x0;
	[sflag:s28] =	ssyncadd.s32 $0xFFFF8000  }
0x7e: {  	v22 =	vld [tilespmem:s2+$0x10]  }
0x7f: {  	s1 =	simm.s32 $0x200;
	v20 =	vadd.f32 v15, v14;
	v21 =	vadd.f32 v17, v16;
	v23 =	vld [tilespmem:s2+$0x0]  }
.LBB2_16:
0x80: {  	p0 =	sne.s32 s1, $0x1FE00  }
.Ltmp7:
0x81: {  	_ = 	snop;
	(pc) =	sbr.rel @p0 .LBB2_16-.Ltmp7, $4  }
0x82: {  	_ = 	snop  }
0x83: {  	s2 =	sshra.s32 s1, $0x2;
	s1 =	sadd.s32 $0x200, s1;
	v20 =	vadd.f32 v22, v20  }
0x84: {  	v22 =	vld [tilespmem:s2+$0x10];
	v21 =	vadd.f32 v23, v21  }
0x85: {  	v23 =	vld [tilespmem:s2+$0x0]  }
0x86: {  	v19 =	vld [tilespmem:s21+$0x8000]  }
0x87: {  	v18 =	vld [tilespmem:s21+$0x8010]  }
0x88: {  	v17 =	vld [tilespmem:s21+$0x8020]  }
0x89: {  	v15 =	vld [tilespmem:s21+$0x8030]  }
0x8a: {  	v16 =	vld [tilespmem:s21+$0x8040];
	s1 =	simm.s32 $0x0  }
0x8b: {  	v14 =	vld [tilespmem:s21+$0x8050];
	[tilespmem:s1], [sflag:$0x1] =	stream.strided.gather [hbm4b:s12+s29], $0x8000, s30, s29, $0x38  }
0x8c: {  	_ =	swait.ge [sflag:s28], $0x8000  }
0x8d: {  	[sflag:s28] =	ssyncset.done $0x0  }
0x8e: {  	s2 =	simm.s32 $0x0;
	[sflag:s28] =	ssyncadd.s32 $0xFFFF8000  }
0x8f: {  	v20 =	vadd.f32 v22, v20;
	v24 =	vld [tilespmem:s2+$0x10]  }
0x90: {  	s1 =	simm.s32 $0x200;
	v22 =	vimm.f32 $0.0e+00;
	v21 =	vadd.f32 v23, v21;
	v23 =	vimm.f32 $0.0e+00;
	v26 =	vld [tilespmem:s2+$0x0]  }
.LBB2_18:
0x91: {  	p0 =	sne.s32 s1, $0x1FE00  }
.Ltmp8:
0x92: {  	_ = 	snop;
	(pc) =	sbr.rel @p0 .LBB2_18-.Ltmp8, $4  }
0x93: {  	_ = 	snop  }
0x94: {  	s2 =	sshra.s32 s1, $0x2;
	s1 =	sadd.s32 $0x200, s1;
	v22 =	vadd.f32 v24, v22  }
0x95: {  	v24 =	vld [tilespmem:s2+$0x10];
	v23 =	vadd.f32 v26, v23  }
0x96: {  	v26 =	vld [tilespmem:s2+$0x0]  }
0x97: {  	s1 =	simm.s32 $0x0  }
0x98: {  	[tilespmem:s1], [sflag:$0x1] =	stream.strided.gather [hbm4b:s13+s29], $0x8000, s30, s29, $0x38;
	[tilespmem:$0xC080] =	vst v63  }
0x99: {  	_ =	swait.ge [sflag:s28], $0x8000  }
0x9a: {  	[sflag:s28] =	ssyncset.done $0x0  }
0x9b: {  	s2 =	simm.s32 $0x0;
	[sflag:s28] =	ssyncadd.s32 $0xFFFF8000  }
0x9c: {  	v25 =	vld [tilespmem:s2+$0x10]  }
0x9d: {  	s1 =	simm.s32 $0x200;
	v22 =	vadd.f32 v24, v22;
	v23 =	vadd.f32 v26, v23;
	v24 =	vld [tilespmem:s2+$0x0]  }
.LBB2_20:
0x9e: {  	p0 =	sne.s32 s1, $0x1FE00  }
.Ltmp9:
0x9f: {  	_ = 	snop;
	(pc) =	sbr.rel @p0 .LBB2_20-.Ltmp9, $4  }
0xa0: {  	_ = 	snop  }
0xa1: {  	s2 =	sshra.s32 s1, $0x2;
	s1 =	sadd.s32 $0x200, s1;
	v22 =	vadd.f32 v25, v22  }
0xa2: {  	v25 =	vld [tilespmem:s2+$0x10];
	v23 =	vadd.f32 v24, v23  }
0xa3: {  	v24 =	vld [tilespmem:s2+$0x0]  }
0xa4: {  	s1 =	simm.s32 $0x0  }
0xa5: {  	[tilespmem:s1], [sflag:$0x1] =	stream.strided.gather [hbm4b:s14+s29], $0x8000, s30, s29, $0x38;
	[tilespmem:$0xC080] =	vst v63  }
0xa6: {  	_ =	swait.ge [sflag:s28], $0x8000  }
0xa7: {  	[sflag:s28] =	ssyncset.done $0x0  }
0xa8: {  	s2 =	simm.s32 $0x0;
	[sflag:s28] =	ssyncadd.s32 $0xFFFF8000  }
0xa9: {  	v22 =	vadd.f32 v25, v22;
	v25 =	vld [tilespmem:s2+$0x10]  }
0xaa: {  	v26 =	vimm.f32 $0.0e+00;
	s1 =	simm.s32 $0x200;
	v23 =	vadd.f32 v24, v23;
	v24 =	vimm.f32 $0.0e+00;
	v27 =	vld [tilespmem:s2+$0x0]  }
.LBB2_22:
0xab: {  	p0 =	sne.s32 s1, $0x1FE00  }
.Ltmp10:
0xac: {  	_ = 	snop;
	(pc) =	sbr.rel @p0 .LBB2_22-.Ltmp10, $4  }
0xad: {  	_ = 	snop  }
0xae: {  	s2 =	sshra.s32 s1, $0x2;
	s1 =	sadd.s32 $0x200, s1;
	v24 =	vadd.f32 v25, v24  }
0xaf: {  	v25 =	vld [tilespmem:s2+$0x10];
	v26 =	vadd.f32 v27, v26  }
0xb0: {  	v27 =	vld [tilespmem:s2+$0x0]  }
0xb1: {  	s1 =	simm.s32 $0x0  }
0xb2: {  	[tilespmem:s1], [sflag:$0x1] =	stream.strided.gather [hbm4b:s15+s29], $0x8000, s30, s29, $0x38;
	[tilespmem:$0xC080] =	vst v63  }
0xb3: {  	_ =	swait.ge [sflag:s28], $0x8000  }
0xb4: {  	[sflag:s28] =	ssyncset.done $0x0  }
0xb5: {  	s2 =	simm.s32 $0x0;
	[sflag:s28] =	ssyncadd.s32 $0xFFFF8000  }
0xb6: {  	v32 =	vld [tilespmem:s2+$0x10]  }
0xb7: {  	s1 =	simm.s32 $0x200;
	v30 =	vadd.f32 v25, v24;
	v31 =	vadd.f32 v27, v26;
	v33 =	vld [tilespmem:s2+$0x0]  }
.LBB2_24:
0xb8: {  	p0 =	sne.s32 s1, $0x1FE00  }
.Ltmp11:
0xb9: {  	_ = 	snop;
	(pc) =	sbr.rel @p0 .LBB2_24-.Ltmp11, $4  }
0xba: {  	_ = 	snop  }
0xbb: {  	s2 =	sshra.s32 s1, $0x2;
	s1 =	sadd.s32 $0x200, s1;
	v30 =	vadd.f32 v32, v30  }
0xbc: {  	v32 =	vld [tilespmem:s2+$0x10];
	v31 =	vadd.f32 v33, v31  }
0xbd: {  	v33 =	vld [tilespmem:s2+$0x0]  }
0xbe: {  	v29 =	vld [tilespmem:s22+$0x8000]  }
0xbf: {  	v28 =	vld [tilespmem:s22+$0x8010]  }
0xc0: {  	v27 =	vld [tilespmem:s22+$0x8020]  }
0xc1: {  	v25 =	vld [tilespmem:s22+$0x8030]  }
0xc2: {  	v26 =	vld [tilespmem:s22+$0x8040];
	s1 =	simm.s32 $0x0  }
0xc3: {  	v24 =	vld [tilespmem:s22+$0x8050];
	[tilespmem:s1], [sflag:$0x1] =	stream.strided.gather [hbm4b:s16+s29], $0x8000, s30, s29, $0x38  }
0xc4: {  	_ =	swait.ge [sflag:s28], $0x8000  }
0xc5: {  	[sflag:s28] =	ssyncset.done $0x0  }
0xc6: {  	s2 =	simm.s32 $0x0;
	[sflag:s28] =	ssyncadd.s32 $0xFFFF8000  }
0xc7: {  	v30 =	vadd.f32 v32, v30;
	v34 =	vld [tilespmem:s2+$0x10]  }
0xc8: {  	s1 =	simm.s32 $0x200;
	v32 =	vimm.f32 $0.0e+00;
	v31 =	vadd.f32 v33, v31;
	v33 =	vimm.f32 $0.0e+00;
	v36 =	vld [tilespmem:s2+$0x0]  }
.LBB2_26:
0xc9: {  	p0 =	sne.s32 s1, $0x1FE00  }
.Ltmp12:
0xca: {  	_ = 	snop;
	(pc) =	sbr.rel @p0 .LBB2_26-.Ltmp12, $4  }
0xcb: {  	_ = 	snop  }
0xcc: {  	s2 =	sshra.s32 s1, $0x2;
	s1 =	sadd.s32 $0x200, s1;
	v32 =	vadd.f32 v34, v32  }
0xcd: {  	v34 =	vld [tilespmem:s2+$0x10];
	v33 =	vadd.f32 v36, v33  }
0xce: {  	v36 =	vld [tilespmem:s2+$0x0]  }
0xcf: {  	s1 =	simm.s32 $0x0  }
0xd0: {  	[tilespmem:s1], [sflag:$0x1] =	stream.strided.gather [hbm4b:s17+s29], $0x8000, s30, s29, $0x38;
	[tilespmem:$0xC080] =	vst v63  }
0xd1: {  	_ =	swait.ge [sflag:s28], $0x8000  }
0xd2: {  	[sflag:s28] =	ssyncset.done $0x0  }
0xd3: {  	s2 =	simm.s32 $0x0;
	[sflag:s28] =	ssyncadd.s32 $0xFFFF8000  }
0xd4: {  	v35 =	vld [tilespmem:s2+$0x10]  }
0xd5: {  	s1 =	simm.s32 $0x200;
	v32 =	vadd.f32 v34, v32;
	v33 =	vadd.f32 v36, v33;
	v34 =	vld [tilespmem:s2+$0x0]  }
.LBB2_28:
0xd6: {  	p0 =	sne.s32 s1, $0x1FE00  }
.Ltmp13:
0xd7: {  	_ = 	snop;
	(pc) =	sbr.rel @p0 .LBB2_28-.Ltmp13, $4  }
0xd8: {  	_ = 	snop  }
0xd9: {  	s2 =	sshra.s32 s1, $0x2;
	s1 =	sadd.s32 $0x200, s1;
	v32 =	vadd.f32 v35, v32  }
0xda: {  	v35 =	vld [tilespmem:s2+$0x10];
	v33 =	vadd.f32 v34, v33  }
0xdb: {  	v34 =	vld [tilespmem:s2+$0x0]  }
0xdc: {  	s1 =	simm.s32 $0x0  }
0xdd: {  	[tilespmem:s1], [sflag:$0x1] =	stream.strided.gather [hbm4b:s18+s29], $0x8000, s30, s29, $0x38;
	[tilespmem:$0xC080] =	vst v63  }
0xde: {  	_ =	swait.ge [sflag:s28], $0x8000  }
0xdf: {  	[sflag:s28] =	ssyncset.done $0x0  }
0xe0: {  	s2 =	simm.s32 $0x0;
	[sflag:s28] =	ssyncadd.s32 $0xFFFF8000  }
0xe1: {  	v32 =	vadd.f32 v35, v32;
	v35 =	vld [tilespmem:s2+$0x10]  }
0xe2: {  	v38 =	vimm.f32 $0.0e+00;
	s1 =	simm.s32 $0x200;
	v33 =	vadd.f32 v34, v33;
	v34 =	vimm.f32 $0.0e+00;
	v39 =	vld [tilespmem:s2+$0x0]  }
.LBB2_30:
0xe3: {  	p0 =	sne.s32 s1, $0x1FE00  }
.Ltmp14:
0xe4: {  	_ = 	snop;
	(pc) =	sbr.rel @p0 .LBB2_30-.Ltmp14, $4  }
0xe5: {  	_ = 	snop  }
0xe6: {  	s2 =	sshra.s32 s1, $0x2;
	s1 =	sadd.s32 $0x200, s1;
	v34 =	vadd.f32 v35, v34  }
0xe7: {  	v35 =	vld [tilespmem:s2+$0x10];
	v38 =	vadd.f32 v39, v38  }
0xe8: {  	v39 =	vld [tilespmem:s2+$0x0]  }
0xe9: {  	s1 =	simm.s32 $0x0  }
0xea: {  	[tilespmem:s1], [sflag:$0x1] =	stream.strided.gather [hbm4b:s19+s29], $0x8000, s30, s29, $0x38;
	[tilespmem:$0xC080] =	vst v63  }
0xeb: {  	_ =	swait.ge [sflag:s28], $0x8000  }
0xec: {  	[sflag:s28] =	ssyncset.done $0x0  }
0xed: {  	s2 =	simm.s32 $0x0;
	[sflag:s28] =	ssyncadd.s32 $0xFFFF8000  }
0xee: {  	v37 =	vld [tilespmem:s2+$0x10]  }
0xef: {  	s1 =	simm.s32 $0x200;
	v36 =	vadd.f32 v35, v34;
	v34 =	vadd.f32 v39, v38;
	v35 =	vld [tilespmem:s2+$0x0]  }
.LBB2_32:
0xf0: {  	p0 =	sne.s32 s1, $0x1FE00  }
.Ltmp15:
0xf1: {  	_ = 	snop;
	(pc) =	sbr.rel @p0 .LBB2_32-.Ltmp15, $4  }
0xf2: {  	_ = 	snop  }
0xf3: {  	s2 =	sshra.s32 s1, $0x2;
	s1 =	sadd.s32 $0x200, s1;
	v36 =	vadd.f32 v37, v36  }
0xf4: {  	v37 =	vld [tilespmem:s2+$0x10];
	v34 =	vadd.f32 v35, v34  }
0xf5: {  	v35 =	vld [tilespmem:s2+$0x0]  }
0xf6: {  	v38 =	vsub.f32 $5.000000000e-01, v9;
	_ =	sdelay $0x1  }
0xf7: {  	v38 =	vmul.f32 $1.000000000e+03, v38;
	_ =	sdelay $0x1  }
0xf8: {  	v38 =	vmul.f32 $1.442695020e+00, v38;
	_ =	sdelay $0x1  }
0xf9: {  	(erf) = vpow2.f32 v38;
	_ =	sdelay $0x6  }
0xfa: {  	v53 =	vsub.f32 $5.000000000e-01, v8;
	_ =	sdelay $0x1  }
0xfb: {  	v38 =	vmul.f32 $1.000000000e+03, v53;
	v39 =	vpop (erf)  }
0xfc: {  	v39 =	vadd.f32 $1.000000000e+00, v39  }
0xfd: {  	v38 =	vmul.f32 $1.442695020e+00, v38  }
0xfe: {  	(erf) = vrcp.f32 v39  }
0xff: {  	(erf) = vpow2.f32 v38;
	_ =	sdelay $0x6  }
0x100: {  	v54 =	vsub.f32 $5.000000000e-01, v7  }
0x101: {  	v39 =	vpop (erf)  }
0x102: {  	v38 =	vmul.f32 $1.000000000e+03, v54;
	v40 =	vpop (erf)  }
0x103: {  	v40 =	vadd.f32 $1.000000000e+00, v40  }
0x104: {  	v38 =	vmul.f32 $1.442695020e+00, v38  }
0x105: {  	(erf) = vrcp.f32 v40  }
0x106: {  	(erf) = vpow2.f32 v38;
	_ =	sdelay $0x6  }
0x107: {  	v55 =	vsub.f32 $5.000000000e-01, v19  }
0x108: {  	v40 =	vpop (erf)  }
0x109: {  	v38 =	vmul.f32 $1.000000000e+03, v55;
	v41 =	vpop (erf)  }
0x10a: {  	v41 =	vadd.f32 $1.000000000e+00, v41  }
0x10b: {  	v38 =	vmul.f32 $1.442695020e+00, v38  }
0x10c: {  	(erf) = vrcp.f32 v41  }
0x10d: {  	(erf) = vpow2.f32 v38;
	_ =	sdelay $0x6  }
0x10e: {  	v56 =	vsub.f32 $5.000000000e-01, v18  }
0x10f: {  	v41 =	vpop (erf)  }
0x110: {  	v38 =	vmul.f32 $1.000000000e+03, v56;
	v42 =	vpop (erf)  }
0x111: {  	v42 =	vadd.f32 $1.000000000e+00, v42  }
0x112: {  	v38 =	vmul.f32 $1.442695020e+00, v38  }
0x113: {  	(erf) = vrcp.f32 v42  }
0x114: {  	(erf) = vpow2.f32 v38;
	_ =	sdelay $0x6  }
0x115: {  	v57 =	vsub.f32 $5.000000000e-01, v17  }
0x116: {  	v42 =	vpop (erf)  }
0x117: {  	v38 =	vmul.f32 $1.000000000e+03, v57;
	v43 =	vpop (erf)  }
0x118: {  	v43 =	vadd.f32 $1.000000000e+00, v43  }
0x119: {  	v38 =	vmul.f32 $1.442695020e+00, v38  }
0x11a: {  	(erf) = vrcp.f32 v43  }
0x11b: {  	(erf) = vpow2.f32 v38;
	_ =	sdelay $0x6  }
0x11c: {  	v58 =	vsub.f32 $5.000000000e-01, v29  }
0x11d: {  	v43 =	vpop (erf)  }
0x11e: {  	v38 =	vmul.f32 $1.000000000e+03, v58;
	v44 =	vpop (erf)  }
0x11f: {  	v44 =	vadd.f32 $1.000000000e+00, v44  }
0x120: {  	v38 =	vmul.f32 $1.442695020e+00, v38  }
0x121: {  	(erf) = vrcp.f32 v44  }
0x122: {  	(erf) = vpow2.f32 v38;
	_ =	sdelay $0x6  }
0x123: {  	v59 =	vsub.f32 $5.000000000e-01, v28  }
0x124: {  	v44 =	vpop (erf)  }
0x125: {  	v38 =	vmul.f32 $1.000000000e+03, v59;
	v45 =	vpop (erf)  }
0x126: {  	v45 =	vadd.f32 $1.000000000e+00, v45  }
0x127: {  	v38 =	vmul.f32 $1.442695020e+00, v38  }
0x128: {  	(erf) = vrcp.f32 v45  }
0x129: {  	(erf) = vpow2.f32 v38;
	_ =	sdelay $0x6  }
0x12a: {  	v60 =	vsub.f32 $5.000000000e-01, v27  }
0x12b: {  	v45 =	vpop (erf)  }
0x12c: {  	v38 =	vmul.f32 $1.000000000e+03, v60;
	v46 =	vpop (erf)  }
0x12d: {  	v46 =	vadd.f32 $1.000000000e+00, v46  }
0x12e: {  	v38 =	vmul.f32 $1.442695020e+00, v38  }
0x12f: {  	(erf) = vrcp.f32 v46  }
0x130: {  	(erf) = vpow2.f32 v38;
	_ =	sdelay $0x1  }
0x131: {  	v38 =	vld [tilespmem:s23+$0x8000];
	_ =	sdelay $0x4  }
0x132: {  	v61 =	vsub.f32 $5.000000000e-01, v38  }
0x133: {  	v47 =	vpop (erf)  }
0x134: {  	v46 =	vmul.f32 $1.000000000e+03, v61;
	v48 =	vpop (erf)  }
0x135: {  	v48 =	vadd.f32 $1.000000000e+00, v48  }
0x136: {  	v46 =	vmul.f32 $1.442695020e+00, v46  }
0x137: {  	(erf) = vrcp.f32 v48  }
0x138: {  	(erf) = vpow2.f32 v46;
	_ =	sdelay $0x1  }
0x139: {  	v46 =	vld [tilespmem:s23+$0x8010];
	_ =	sdelay $0x4  }
0x13a: {  	v62 =	vsub.f32 $5.000000000e-01, v46  }
0x13b: {  	v49 =	vpop (erf)  }
0x13c: {  	v48 =	vmul.f32 $1.000000000e+03, v62;
	v50 =	vpop (erf)  }
0x13d: {  	v50 =	vadd.f32 $1.000000000e+00, v50  }
0x13e: {  	v48 =	vmul.f32 $1.442695020e+00, v48  }
0x13f: {  	(erf) = vrcp.f32 v50  }
0x140: {  	(erf) = vpow2.f32 v48  }
0x141: {  	vm9 =	vgt.f32 v9, $5.000000000e-01;
	v9 =	vld [tilespmem:s23+$0x8020]  }
0x142: {  	v3 =	vsub.f32 v3, v11  }
0x143: {  	v2 =	vsub.f32 v2, v10;
	v12 =	vsub.f32 v12, v20  }
0x144: {  	v20 =	vsub.f32 v22, v30;
	v63 =	vsel vm9, $0x3F800000, v0;
	vm9 =	vgt.f32 v8, $5.000000000e-01  }
0x145: {  	v3 =	vand.u32 $0x7FFFFFFF, v3;
	v2 =	vand.u32 $0x7FFFFFFF, v2;
	v8 =	vsel vm9, $0x3F800000, v0  }
0x146: {  	v22 =	vand.u32 $0x7FFFFFFF, v20;
	v3 =	vmul.f32 $1.953125000e-03, v3;
	v51 =	vsub.f32 $5.000000000e-01, v9  }
0x147: {  	vm9 =	veq.f32 v5, v6;
	v2 =	vmul.f32 $1.953125000e-03, v2;
	v30 =	vmul.f32 $1.953125000e-03, v22  }
0x148: {  	v54 =	vmul.f32 $1.000000000e+03, v51;
	v10 =	vmul.f32 v39, v63;
	v63 =	vadd.f32 v35, v34;
	v52 =	vpop (erf)  }
0x149: {  	v34 =	vsub.f32 v27, v26;
	v8 =	vmul.f32 v40, v8;
	v56 =	vsub.f32 v13, v21;
	v53 =	vpop (erf)  }
0x14a: {  	v3 =	vmul.f32 v10, v3;
	v10 =	vmul.f32 $1.442695020e+00, v54;
	v55 =	vadd.f32 $1.000000000e+00, v53  }
0x14b: {  	v40 =	vsub.f32 v33, v63;
	v2 =	vmul.f32 v8, v2;
	v8 =	vand.u32 $0x7FFFFFFF, v56  }
0x14c: {  	v8 =	vmul.f32 $1.953125000e-03, v8;
	v60 =	vsub.f32 v17, v16;
	(erf) = vrcp.f32 v55  }
0x14d: {  	(xrf2) =	vadd.scan.msk.f32 $0xffff, v3;
	v4 =	vmul.f32 v41, v4;
	v62 =	vsub.f32 v23, v31;
	(erf) = vpow2.f32 v10  }
0x14e: {  	(xrf2) =	vadd.scan.msk.f32 $0xffff, v2;
	v58 =	vand.u32 $0x7FFFFFFF, v12;
	v2 =	vmul.f32 v44, v14;
	v13 =	vand.u32 $0x7FFFFFFF, v60  }
0x14f: {  	v3 =	vand.u32 $0x7FFFFFFF, v62;
	v41 =	vmul.f32 v49, v24;
	v50 =	vsub.f32 v7, v6  }
0x150: {  	v3 =	vmul.f32 $1.953125000e-03, v3;
	v6 =	vsel vm9, $0x3F800000, v0;
	vm9 =	vgt.f32 v19, $5.000000000e-01  }
0x151: {  	v57 =	vsel vm9, $0x3F800000, v0;
	vm9 =	vgt.f32 v18, $5.000000000e-01;
	v7 =	vand.u32 $0x7FFFFFFF, v50  }
0x152: {  	v59 =	vsel vm9, $0x3F800000, v0;
	v6 =	vmul.f32 v7, v6;
	v7 =	vmul.f32 v42, v57  }
0x153: {  	vm9 =	veq.f32 v15, v16;
	v12 =	vmul.f32 v43, v59;
	v10 =	vmul.f32 $1.953125000e-03, v58  }
0x154: {  	v61 =	vsel vm9, $0x3F800000, v0;
	vm9 =	vgt.f32 v29, $5.000000000e-01;
	v7 =	vmul.f32 v7, v8;
	(xrf2) =	vadd.scan.msk.f32 $0xffff, v6  }
0x155: {  	v48 =	vadd.f32 v37, v36;
	v21 =	vsel vm9, $0x3F800000, v0;
	(xrf2) =	vadd.scan.msk.f32 $0xffff, v4;
	v10 =	vmul.f32 v12, v10;
	v29 =	vpop (erf)  }
0x156: {  	vm9 =	vgt.f32 v28, $5.000000000e-01;
	v8 =	vmul.f32 v13, v61;
	v23 =	vmul.f32 v45, v21;
	(xrf2) =	vadd.scan.msk.f32 $0xffff, v7;
	v35 =	vpop (erf)  }
0x157: {  	v43 =	vsub.f32 v32, v48;
	v31 =	vsel vm9, $0x3F800000, v0;
	(xrf2) =	vadd.scan.msk.f32 $0xffff, v10;
	v7 =	vadd.f32 $1.000000000e+00, v35  }
0x158: {  	v42 =	vld [tilespmem:s23+$0x8040];
	vm9 =	veq.f32 v25, v26;
	v6 =	vmul.f32 v47, v31;
	v3 =	vmul.f32 v23, v3;
	(xrf2) =	vadd.scan.msk.f32 $0xffff, v8  }
0x159: {  	v36 =	vsel vm9, $0x3F800000, v0;
	vm9 =	vgt.f32 v38, $5.000000000e-01;
	(xrf2) =	vadd.scan.msk.f32 $0xffff, v2;
	(erf) = vrcp.f32 v7  }
0x15a: {  	v44 =	vld [tilespmem:s23+$0x8030];
	v4 =	vmul.f32 v6, v30;
	v2 =	vand.u32 $0x7FFFFFFF, v40;
	(xrf2) =	vadd.scan.msk.f32 $0xffff, v3;
	v3 =	vsel vm9, $0x3F800000, v0  }
0x15b: {  	v37 =	vand.u32 $0x7FFFFFFF, v34;
	v2 =	vmul.f32 $1.953125000e-03, v2;
	v3 =	vmul.f32 v52, v3  }
0x15c: {  	v39 =	vmul.f32 v37, v36;
	vm9 =	vgt.f32 v46, $5.000000000e-01;
	v46 =	vand.u32 $0x7FFFFFFF, v43  }
0x15d: {  	v45, _, _ =	vpop (xrf2);
	(xrf2) =	vadd.scan.msk.f32 $0xffff, v4;
	v47 =	vsel vm9, $0x3F800000, v0;
	v2 =	vmul.f32 v3, v2;
	v3 =	vsub.f32 v9, v42  }
0x15e: {  	v50 =	vld [tilespmem:s23+$0x8050];
	v48, _, _ =	vpop (xrf2);
	v4 =	vmul.f32 $1.953125000e-03, v46;
	v5 =	vmul.f32 v29, v47;
	(xrf2) =	vadd.scan.msk.f32 $0xffff, v39  }
0x15f: {  	(v2sf) =	vpush v45, $0xF;
	v49, _, _ =	vpop (xrf2);
	vm9 =	veq.f32 v44, v42;
	(xrf2) =	vadd.scan.msk.f32 $0xffff, v41;
	v3 =	vand.u32 $0x7FFFFFFF, v3  }
0x160: {  	(v2sf) =	vpush v48, $0xF;
	v51, _, _ =	vpop (xrf2);
	v4 =	vmul.f32 v5, v4;
	(xrf2) =	vadd.scan.msk.f32 $0xffff, v2;
	v2 =	vsel vm9, $0x3F800000, v0  }
0x161: {  	(v2sf) =	vpush v49, $0xF;
	v52, _, _ =	vpop (xrf2);
	v2 =	vmul.f32 v3, v2  }
0x162: {  	(v2sf) =	vpush v51, $0xF;
	(xrf2) =	vadd.scan.msk.f32 $0xffff, v4;
	v3 =	vpop (erf)  }
0x163: {  	(v2sf) =	vpush v52, $0xF;
	v53, _, _ =	vpop (xrf2);
	(xrf2) =	vadd.scan.msk.f32 $0xffff, v2;
	v2 =	vmul.f32 v3, v50  }
0x164: {  	(v2sf) =	vpush v53, $0xF;
	v54, _, _ =	vpop (xrf2)  }
0x165: {  	(v2sf) =	vpush v54, $0xF;
	v3, _, _ =	vpop (xrf2)  }
0x166: {  	(v2sf) =	vpush v3, $0xF;
	v55, _, _ =	vpop (xrf2);
	(xrf2) =	vadd.scan.msk.f32 $0xffff, v2  }
0x167: {  	(v2sf) =	vpush v55, $0xF;
	v2, _, _ =	vpop (xrf2)  }
0x168: {  	(v2sf) =	vpush v2, $0xF  }
0x169: {  	v2, _, _ =	vpop (xrf2)  }
0x16a: {  	v56, _, _ =	vpop (xrf2);
	(v2sf) =	vpush v2, $0xF  }
0x16b: {  	v57, _, _ =	vpop (xrf2);
	(v2sf) =	vpush v56, $0xF  }
0x16c: {  	v58, _, _ =	vpop (xrf2);
	(v2sf) =	vpush v57, $0xF  }
0x16d: {  	(v2sf) =	vpush v58, $0xF  }
0x16e: {  	s1 =	spop (v2sf);
	v59, _, _ =	vpop (xrf2)  }
0x16f: {  	s2 =	spop (v2sf);
	(v2sf) =	vpush v59, $0xF  }
0x170: {  	s1 =	sadd.f32 s2, s1;
	s26 =	spop (v2sf);
	v60, _, _ =	vpop (xrf2)  }
0x171: {  	s2 =	spop (v2sf);
	(v2sf) =	vpush v60, $0xF  }
0x172: {  	s26 =	ssub.f32 s1, s26;
	s31 =	spop (v2sf)  }
0x173: {  	s4 =	spop (v2sf)  }
0x174: {  	s2 =	ssub.f32 s26, s2;
	s5 =	spop (v2sf)  }
0x175: {  	s4 =	sadd.f32 s4, s31;
	s26 =	spop (v2sf)  }
0x176: {  	s31 =	spop (v2sf)  }
0x177: {  	v62 =	vbroadcast v49, $0xF;
	v61 =	vmov s2;
	s5 =	ssub.f32 s4, s5;
	s2 =	spop (v2sf)  }
0x178: {  	v7 =	vbroadcast v51, $0xF;
	v9 =	vsel vm0, s1, v61;
	s1 =	sadd.f32 s2, s31  }
0x179: {  	v9 =	vsel vm1, v62, v9;
	s5 =	ssub.f32 s5, s26;
	s31 =	spop (v2sf)  }
0x17a: {  	vm9 =	veq.s32 v1, $0x1;
	v7 =	vsel vm2, v9, v7;
	s26 =	spop (v2sf);
	s2 =	ssub.f32 s1, s31  }
0x17b: {  	v4 =	vbroadcast v54, $0xF;
	v7 =	vsel vm9, s5, v7;
	vm9 =	veq.s32 v1, $0x5;
	s31 =	spop (v2sf)  }
0x17c: {  	v3 =	vbroadcast v3, $0xF;
	v7 =	vsel vm9, s4, v7;
	s2 =	ssub.f32 s2, s26;
	s26 =	spop (v2sf)  }
0x17d: {  	v4 =	vsel vm3, v4, v7;
	s4 =	sadd.f32 s26, s31  }
0x17e: {  	vm9 =	veq.s32 v1, $0x2;
	v3 =	vsel vm4, v4, v3;
	s31 =	spop (v2sf)  }
0x17f: {  	v2 =	vbroadcast v2, $0xF;
	v3 =	vsel vm9, s2, v3;
	vm9 =	veq.s32 v1, $0x6;
	s5 =	ssub.f32 s4, s31  }
0x180: {  	[tilespmem:$0xC010] =	vst v0;
	v63 =	vbroadcast v56, $0xF;
	v3 =	vsel vm9, s1, v3;
	s26 =	spop (v2sf)  }
0x181: {  	[tilespmem:$0xC020] =	vst v0;
	v2 =	vsel vm5, v2, v3;
	s1 =	ssub.f32 s5, s26  }
0x182: {  	[tilespmem:$0xC030] =	vst v0;
	vm9 =	veq.s32 v1, $0x3;
	v2 =	vsel vm6, v2, v63  }
0x183: {  	[tilespmem:$0xC040] =	vst v0;
	v3 =	vbroadcast v59, $0xF;
	v2 =	vsel vm9, s1, v2;
	vm9 =	veq.s32 v1, $0x7  }
0x184: {  	[tilespmem:$0xC050] =	vst v0;
	v2 =	vsel vm9, s4, v2  }
0x185: {  	s0 =	sadd.s32 $0x1, s0;
	[tilespmem:$0xC060] =	vst v0;
	v2 =	vsel vm7, v3, v2  }
0x186: {  	p0 =	sne.s32 s0, s25;
	[tilespmem:$0xC070] =	vst v0;
	v2 =	vsel vm8, v2, v60  }
.Ltmp16:
0x187: {  	s31 =	simm.s32 $0xC000;
	[tilespmem:$0xC000] =	vst v2;
	(pc) =	sbr.rel @p0 .LBB2_1-.Ltmp16, $4  }
0x188: {  	[hbm4b:s24+s3] =	stream.linear.scatter [tilespmem:s31], [sflag:$0x1], $0x80, $0x38;
	[tilespmem:$0xC080] =	vst v63  }
0x189: {  	_ =	swait.ge [sflag:s28], $0x80  }
0x18a: {  	[sflag:s28] =	ssyncset.done $0x0  }
0x18b: {  	[sflag:s28] =	ssyncadd.s32 $0xFFFFFF80  }
0x18c: {  	_ =	sfence.sel $0x180000  }
0x18d: {  	[bflag:$0x0] =	sbarrier.arrive $0xFFFF  }
0x18e: {  	_ =	strace $0x90000047  }
0x18f: {  	s0 =	stileid.u32;
	[bflag:$0x2] =	sbarrier.arrive $0xFFFF  }
0x190: {  	p0 =	sne.s32 s0, $0x0;
	s0 =	rddreg [dreg:$0x3]  }
0x191: {  	s0 =	sadd.s32 @!p0 $0x100000, s0  }
0x192: {  	[sflag:s0] =	ssyncadd.tile.s32 @!p0 $0x1;
	_ =	shalt  }
.Lfunc_end2:
_tile_overlayer_lowered:
.L_overlay_start_2:
0x193: {  	(tag) =	ssettag $0x2  }
0x194: {  	s0 =	rddreg [dreg:$0x0];
	s2 =	stileid.u32  }
0x195: {  	s1 =	rddreg [dreg:$0x1];
	p0 =	sne.s32 s2, $0x0  }
0x196: {  	s3 =	rddreg [dreg:$0x2];
	[bflag:$0x3] =	sbarrier.arrive $0xFFFF;
	s2 =	simm.s32 @!p0 $0x1C01  }
0x197: {  	[timem:s3], [sflag:s2] =	dma.local @!p0 [hbm:s0], s1  }
0x198: {  	s0 =	simm.s32 @!p0 $0x1  }
0x199: {  	_ =	swait.ge @!p0 [sflag:s0], s1  }
0x19a: {  	s1 =	ssub.s32 @!p0 $0x0, s1;
	[sflag:s0] =	ssyncset.done @!p0 $0x0  }
0x19b: {  	[sflag:s0] =	ssyncadd.s32 @!p0 s1  }
0x19c: {  	[bflag:$0x3] =	sbarrier.arrive $0xFFFF  }
0x19d: {  	_ =	shalt  }

</sc_bundles>
